<compile_context>
chip_gen: v7x
topology: tpu7x:2x2x1
jax: 0.10.2.dev20260603
libtpu: 0.0.44.dev20260713+nightly
codegen_flags: <defaults>
</compile_context>

<pallas_src>
import functools

import jax
import jax.numpy as jnp
from jax import lax
from jax.experimental import pallas as pl
from jax.experimental.pallas import tpu as pltpu
from jax.experimental.pallas import tpu_sc as plsc

BATCH = 512
NUM_TTA = 64
NUM_CLASSES = 1000
KEPT_VIEWS = 6
EPS = 1e-08

SAMP_A = 8
GRID_A = BATCH // SAMP_A

NC = 2
NS = 16
L = 16
NW = NC * NS
SAMP_SC = BATCH // NW
TAB = 80


def _stage_a(x_ref, ent_ref, vote_ref, tab_ref):
    p = x_ref[...]
    safe = jnp.maximum(p, jnp.float32(1e-37))
    ent_ref[...] = -jnp.sum(p * jnp.log(safe), axis=2)
    m = jnp.max(p, axis=2)
    lane = lax.broadcasted_iota(jnp.int32, p.shape, 2)
    vote_ref[...] = jnp.min(
        jnp.where(p == m[:, :, None], lane, NUM_CLASSES), axis=2)

    @pl.when(pl.program_id(0) == 0)
    def _():
        c = lax.broadcasted_iota(jnp.int32, (1, 128), 1).astype(jnp.float32)
        tab_ref[...] = jnp.log(c * (1.0 / NUM_TTA) + EPS)


def _sc_body(ent_sm, votes_sm, logtab, out,
             ent_sv, votes_sv, ent_v, votes_v, rank_v, sv_f, cnt_f,
             rows_v, tab_v):
    i32 = jnp.int32
    wid = lax.axis_index("s") * NC + lax.axis_index("c")
    base = wid * SAMP_SC
    pltpu.sync_copy(ent_sm.at[pl.ds(base, SAMP_SC)], ent_sv)
    pltpu.sync_copy(votes_sm.at[pl.ds(base, SAMP_SC)], votes_sv)
    pltpu.sync_copy(logtab, tab_v)

    lane = lax.iota(i32, L)
    zeros = jnp.zeros((L,), i32)

    def tbody(i, _):
        vcol = jnp.full((L,), i, i32)
        ent_v[i, :] = plsc.load_gather(ent_sv, [lane, vcol])
        votes_v[i, :] = plsc.load_gather(votes_sv, [lane, vcol])
        return 0
    lax.fori_loop(0, NUM_TTA, tbody, 0, unroll=8)

    def zbody(r, _):
        cnt_f[pl.ds(r * L, L)] = zeros
        return 0
    lax.fori_loop(0, NUM_CLASSES, zbody, 0, unroll=8)

    def rbody(ib, ssum):
        e_a = ent_v[2 * ib, :]
        e_b = ent_v[2 * ib + 1, :]

        def jall(j, rs):
            ra, rb = rs
            e_j = ent_v[j, :]
            ra = ra + jnp.where(e_j < e_a, 1, 0)
            rb = rb + jnp.where(e_j < e_b, 1, 0)
            return ra, rb

        ra, rb = lax.fori_loop(0, NUM_TTA, jall, (zeros, zeros), unroll=8)
        rank_v[2 * ib, :] = ra
        rank_v[2 * ib + 1, :] = rb
        return ssum + ra + rb
    ssum = lax.fori_loop(0, NUM_TTA // 2, rbody, zeros)

    tie_any = jnp.max(jnp.where(ssum != NUM_TTA * (NUM_TTA - 1) // 2, 1, 0))

    @pl.when(tie_any > 0)
    def _():
        def fix(i, _):
            e_i = ent_v[i, :]

            def jeq(j, r):
                return r + jnp.where(ent_v[j, :] == e_i, 1, 0)

            extra = lax.fori_loop(0, i, jeq, zeros)
            rank_v[i, :] = rank_v[i, :] + extra
            return 0
        lax.fori_loop(0, NUM_TTA, fix, 0)

    def sbody(i, _):
        plsc.store_scatter(sv_f, [rank_v[i, :] * L + lane], votes_v[i, :])
        return 0
    lax.fori_loop(0, NUM_TTA, sbody, 0, unroll=8)

    def vbody(t, carry):
        mx, nmx, active = carry
        v_t = sv_f[pl.ds(t * L, L)]
        idx = v_t * L + lane
        new = plsc.load_gather(cnt_f, [idx]) + 1
        plsc.store_scatter(cnt_f, [idx], new, mask=active)
        upd = active & (new > mx)
        tie = active & (new == mx)
        mx = jnp.where(upd, new, mx)
        nmx = jnp.where(upd, 1, jnp.where(tie, nmx + 1, nmx))
        stop = (t + 1 >= KEPT_VIEWS) & (nmx == 1)
        active = active & jnp.logical_not(stop)
        return mx, nmx, active
    lax.fori_loop(0, NUM_TTA, vbody,
                  (zeros, zeros, jnp.ones((L,), jnp.bool_)))

    def srow(s, _):
        def cchunk(k, _):
            c0 = jnp.minimum(k * L, NUM_CLASSES - L)
            cnts = plsc.load_gather(cnt_f, [(lane + c0) * L + s])
            rows_v[s, pl.ds(c0, L)] = plsc.load_gather(tab_v, [cnts])
            return 0
        lax.fori_loop(0, (NUM_CLASSES + L - 1) // L, cchunk, 0, unroll=4)
        return 0
    lax.fori_loop(0, SAMP_SC, srow, 0)
    pltpu.sync_copy(rows_v, out.at[pl.ds(base, SAMP_SC)])


_stage_b_sc = functools.partial(
    pl.kernel,
    mesh=plsc.VectorSubcoreMesh(core_axis_name="c", subcore_axis_name="s"),
    compiler_params=pltpu.CompilerParams(needs_layout_passes=False),
    out_type=jax.ShapeDtypeStruct((BATCH, NUM_CLASSES), jnp.float32),
    scratch_types=[
        pltpu.VMEM((SAMP_SC, NUM_TTA), jnp.float32),
        pltpu.VMEM((SAMP_SC, NUM_TTA), jnp.int32),
        pltpu.VMEM((NUM_TTA, SAMP_SC), jnp.float32),
        pltpu.VMEM((NUM_TTA, SAMP_SC), jnp.int32),
        pltpu.VMEM((NUM_TTA, SAMP_SC), jnp.int32),
        pltpu.VMEM((NUM_TTA * L,), jnp.int32),
        pltpu.VMEM((NUM_CLASSES * L,), jnp.int32),
        pltpu.VMEM((SAMP_SC, NUM_CLASSES), jnp.float32),
        pltpu.VMEM((TAB,), jnp.float32),
    ],
)(_sc_body)


@jax.jit
def kernel(x):
    x3 = x.reshape(BATCH, NUM_TTA, NUM_CLASSES)
    ent, votes, tab = pl.pallas_call(
        _stage_a,
        grid=(GRID_A,),
        in_specs=[
            pl.BlockSpec((SAMP_A, NUM_TTA, NUM_CLASSES), lambda i: (i, 0, 0)),
        ],
        out_specs=[
            pl.BlockSpec((SAMP_A, NUM_TTA), lambda i: (i, 0)),
            pl.BlockSpec((SAMP_A, NUM_TTA), lambda i: (i, 0)),
            pl.BlockSpec((1, 128), lambda i: (0, 0)),
        ],
        out_shape=[
            jax.ShapeDtypeStruct((BATCH, NUM_TTA), jnp.float32),
            jax.ShapeDtypeStruct((BATCH, NUM_TTA), jnp.int32),
            jax.ShapeDtypeStruct((1, 128), jnp.float32),
        ],
    )(x3)
    logtab = tab.reshape(128)[:TAB]
    return _stage_b_sc(ent, votes, logtab)

# --- scband reference (transcript-rebuilt; emitter-appended) ---
"""Pipeline reference for scband-zero-10625749090520 (READ-ONLY COPY).

The authoritative reference and input builder live on the scoring server;
editing this copy changes nothing except your own understanding.
"""

import jax, jax.numpy as jnp
import numpy as np

BATCH = 512
NUM_TTA = 64
NUM_CLASSES = 1000
FILTER_VIEWS = 0.1
KEPT_VIEWS = int(FILTER_VIEWS * NUM_TTA)  # 6
EPS = 1e-08


def setup_inputs(seed: int = 0) -> dict:
    key = jax.random.key(seed)
    # per-view class probabilities produced by the (identity) core model
    x = jax.random.uniform(key, (BATCH * NUM_TTA, NUM_CLASSES), dtype=jnp.float32)
    return {"x": x}


def _entr(p):
    # torch.special.entr: -p*log(p) for p>0, 0 for p==0, -inf for p<0
    safe = jnp.where(p > 0, p, 1.0)
    return jnp.where(p > 0, -p * jnp.log(safe), jnp.where(p == 0, 0.0, -jnp.inf))


def _resolve_votes(iv, ci):
    sv = iv[ci]  # votes ordered by confidence (ascending entropy)
    pred0 = jnp.zeros((NUM_CLASSES,), dtype=jnp.float32).at[sv[:KEPT_VIEWS]].add(1.0)

    def cond(state):
        pred, i = state
        return (KEPT_VIEWS + i < NUM_TTA) & (jnp.sum(pred == pred.max()) > 1)

    def body(state):
        pred, i = state
        pred = pred.at[sv[KEPT_VIEWS + i]].add(1.0)
        return pred, i + 1

    pred, _ = jax.lax.while_loop(cond, body, (pred0, jnp.int32(0)))
    return pred


def reference(x):
    # eval_forward path of Zero (module in eval mode); core_model is Identity
    all_predictions = x.reshape(BATCH, NUM_TTA, NUM_CLASSES)
    entropies = _entr(all_predictions).sum(2)              # [B, V]
    conf_idx = jnp.argsort(entropies, axis=-1)             # [B, V]
    votes = jnp.argmax(all_predictions, axis=-1)           # [B, V]

    predictions = jax.vmap(_resolve_votes)(votes, conf_idx)
    predictions = predictions / NUM_TTA
    return jnp.log(predictions + EPS)

if __name__ == "__main__":
    import jax
    _d = setup_inputs()
    print(jax.jit(kernel)(*tuple(_d.values())))

</pallas_src>

<mosaic_0001>
#map = affine_map<(d0, d1) -> (0, 0)>
#map1 = affine_map<(d0, d1) -> (0)>
module attributes {stable_mosaic.version = 14 : i64} {
  func.func @_sc_body(%arg0: i32, %arg1: i32, %arg2: memref<512x64xf32, #tpu.memory_space<hbm>>, %arg3: memref<512x64xi32, #tpu.memory_space<hbm>>, %arg4: memref<80xf32, #tpu.memory_space<hbm>>, %arg5: memref<512x1000xf32, #tpu.memory_space<hbm>>, %arg6: memref<16x64xf32, #tpu.memory_space<vmem>>, %arg7: memref<16x64xi32, #tpu.memory_space<vmem>>, %arg8: memref<64x16xf32, #tpu.memory_space<vmem>>, %arg9: memref<64x16xi32, #tpu.memory_space<vmem>>, %arg10: memref<64x16xi32, #tpu.memory_space<vmem>>, %arg11: memref<1024xi32, #tpu.memory_space<vmem>>, %arg12: memref<16000xi32, #tpu.memory_space<vmem>>, %arg13: memref<16x1000xf32, #tpu.memory_space<vmem>>, %arg14: memref<80xf32, #tpu.memory_space<vmem>>) attributes {dimension_semantics = [#tpu.dimension_semantics<core_parallel>, #tpu.dimension_semantics<subcore_parallel>], iteration_bounds = array<i64: 2, 16>, scalar_prefetch = 0 : i64, scratch_operands = 9 : i64, tpu.core_type = #tpu.core_type<sc_vector_subcore>, window_params = [{transform_indices = #map}, {transform_indices = #map}, {transform_indices = #map1}, {transform_indices = #map}]} {
    %mul3A = arith.constant 2 : i32
    %mul3A_0 = arith.muli %arg1, %mul3A : i32
    %add3A = arith.addi %mul3A_0, %arg0 : i32
    %mul3A_1 = arith.constant 16 : i32
    %mul3A_2 = arith.muli %add3A, %mul3A_1 : i32
    "tpu.region"() ({
      %run_scoped3A = tpu.sem_alloc : memref<!tpu.dma_semaphore, #tpu.memory_space<semaphore_mem>>
      %dma_start3A = arith.constant 0 : i32
      %dma_start3A_59 = tpu.memref_slice %arg2[%mul3A_2, %dma_start3A] : memref<512x64xf32, #tpu.memory_space<hbm>> -> memref<16x64xf32, #tpu.memory_space<hbm>>
      %dma_start3A_60 = arith.constant 0 : i32
      %dma_start3A_61 = tpu.memref_slice %arg2[%mul3A_2, %dma_start3A_60] : memref<512x64xf32, #tpu.memory_space<hbm>> -> memref<16x64xf32, #tpu.memory_space<hbm>>
      tpu.enqueue_dma source(%dma_start3A_61 : memref<16x64xf32, #tpu.memory_space<hbm>>) target(%arg6 : memref<16x64xf32, #tpu.memory_space<vmem>>) target_semaphore(%run_scoped3A : memref<!tpu.dma_semaphore, #tpu.memory_space<semaphore_mem>>)
      %dma_wait3A = arith.constant 0 : i32
      %dma_wait3A_62 = tpu.memref_slice %arg2[%mul3A_2, %dma_wait3A] : memref<512x64xf32, #tpu.memory_space<hbm>> -> memref<16x64xf32, #tpu.memory_space<hbm>>
      %dma_wait3A_63 = arith.constant 0 : i32
      %dma_wait3A_64 = tpu.memref_slice %arg2[%mul3A_2, %dma_wait3A_63] : memref<512x64xf32, #tpu.memory_space<hbm>> -> memref<16x64xf32, #tpu.memory_space<hbm>>
      tpu.wait_dma2 semaphore(%run_scoped3A : memref<!tpu.dma_semaphore, #tpu.memory_space<semaphore_mem>>) src(%dma_wait3A_64 : memref<16x64xf32, #tpu.memory_space<hbm>>) dst(%arg6 : memref<16x64xf32, #tpu.memory_space<vmem>>)
      tpu.yield
    }) : () -> ()
    "tpu.region"() ({
      %run_scoped3A = tpu.sem_alloc : memref<!tpu.dma_semaphore, #tpu.memory_space<semaphore_mem>>
      %dma_start3A = arith.constant 0 : i32
      %dma_start3A_59 = tpu.memref_slice %arg3[%mul3A_2, %dma_start3A] : memref<512x64xi32, #tpu.memory_space<hbm>> -> memref<16x64xi32, #tpu.memory_space<hbm>>
      %dma_start3A_60 = arith.constant 0 : i32
      %dma_start3A_61 = tpu.memref_slice %arg3[%mul3A_2, %dma_start3A_60] : memref<512x64xi32, #tpu.memory_space<hbm>> -> memref<16x64xi32, #tpu.memory_space<hbm>>
      tpu.enqueue_dma source(%dma_start3A_61 : memref<16x64xi32, #tpu.memory_space<hbm>>) target(%arg7 : memref<16x64xi32, #tpu.memory_space<vmem>>) target_semaphore(%run_scoped3A : memref<!tpu.dma_semaphore, #tpu.memory_space<semaphore_mem>>)
      %dma_wait3A = arith.constant 0 : i32
      %dma_wait3A_62 = tpu.memref_slice %arg3[%mul3A_2, %dma_wait3A] : memref<512x64xi32, #tpu.memory_space<hbm>> -> memref<16x64xi32, #tpu.memory_space<hbm>>
      %dma_wait3A_63 = arith.constant 0 : i32
      %dma_wait3A_64 = tpu.memref_slice %arg3[%mul3A_2, %dma_wait3A_63] : memref<512x64xi32, #tpu.memory_space<hbm>> -> memref<16x64xi32, #tpu.memory_space<hbm>>
      tpu.wait_dma2 semaphore(%run_scoped3A : memref<!tpu.dma_semaphore, #tpu.memory_space<semaphore_mem>>) src(%dma_wait3A_64 : memref<16x64xi32, #tpu.memory_space<hbm>>) dst(%arg7 : memref<16x64xi32, #tpu.memory_space<vmem>>)
      tpu.yield
    }) : () -> ()
    "tpu.region"() ({
      %run_scoped3A = tpu.sem_alloc : memref<!tpu.dma_semaphore, #tpu.memory_space<semaphore_mem>>
      tpu.enqueue_dma source(%arg4 : memref<80xf32, #tpu.memory_space<hbm>>) target(%arg14 : memref<80xf32, #tpu.memory_space<vmem>>) target_semaphore(%run_scoped3A : memref<!tpu.dma_semaphore, #tpu.memory_space<semaphore_mem>>)
      tpu.wait_dma2 semaphore(%run_scoped3A : memref<!tpu.dma_semaphore, #tpu.memory_space<semaphore_mem>>) src(%arg4 : memref<80xf32, #tpu.memory_space<hbm>>) dst(%arg14 : memref<80xf32, #tpu.memory_space<vmem>>)
      tpu.yield
    }) : () -> ()
    %iota3A = tpu.iota {dimensions = array<i32: 0>} : vector<16xi32>
    %broadcast_in_dim3A = arith.constant 0 : i32
    %broadcast_in_dim3A_3 = vector.broadcast %broadcast_in_dim3A : i32 to vector<16xi32>
    %scan3A = arith.constant 0 : i32
    %scan3A_4 = arith.constant 0 : i32
    %scan3A_5 = arith.constant 64 : i32
    %scan3A_6 = arith.addi %scan3A_4, %scan3A_5 : i32
    %scan3A_7 = arith.constant 8 : i32
    %scan3A_8 = scf.for %scan3A_59 = %scan3A_4 to %scan3A_6 step %scan3A_7 iter_args(%scan3A_60 = %scan3A) -> (i32)  : i32 {
      %broadcast_in_dim3A_61 = vector.broadcast %scan3A_59 : i32 to vector<16xi32>
      %gather3A = tpu.vector_load_idx %arg6[%iota3A, %broadcast_in_dim3A_61] : memref<16x64xf32, #tpu.memory_space<vmem>>[vector<16xi32>, vector<16xi32>], vector<16xf32>,
      %swap3A = arith.index_cast %scan3A_59 : i32 to index
      %swap3A_62 = arith.constant 0 : index
      %swap3A_63 = tpu.vector_load %arg8[%swap3A, %swap3A_62] {strides = array<i32>} : memref<64x16xf32, #tpu.memory_space<vmem>>, vector<16xf32>,
      tpu.vector_store %arg8[%swap3A, %swap3A_62], %gather3A {strides = array<i32>} : memref<64x16xf32, #tpu.memory_space<vmem>>, vector<16xf32>,
      %gather3A_64 = tpu.vector_load_idx %arg7[%iota3A, %broadcast_in_dim3A_61] : memref<16x64xi32, #tpu.memory_space<vmem>>[vector<16xi32>, vector<16xi32>], vector<16xi32>,
      %swap3A_65 = arith.index_cast %scan3A_59 : i32 to index
      %swap3A_66 = arith.constant 0 : index
      %swap3A_67 = tpu.vector_load %arg9[%swap3A_65, %swap3A_66] {strides = array<i32>} : memref<64x16xi32, #tpu.memory_space<vmem>>, vector<16xi32>,
      tpu.vector_store %arg9[%swap3A_65, %swap3A_66], %gather3A_64 {strides = array<i32>} : memref<64x16xi32, #tpu.memory_space<vmem>>, vector<16xi32>,
      %scan3A_68 = arith.constant 0 : i32
      %scan3A_69 = arith.constant 1 : i32
      %scan3A_70 = arith.addi %scan3A_59, %scan3A_69 : i32
      %broadcast_in_dim3A_71 = vector.broadcast %scan3A_70 : i32 to vector<16xi32>
      %gather3A_72 = tpu.vector_load_idx %arg6[%iota3A, %broadcast_in_dim3A_71] : memref<16x64xf32, #tpu.memory_space<vmem>>[vector<16xi32>, vector<16xi32>], vector<16xf32>,
      %swap3A_73 = arith.index_cast %scan3A_70 : i32 to index
      %swap3A_74 = arith.constant 0 : index
      %swap3A_75 = tpu.vector_load %arg8[%swap3A_73, %swap3A_74] {strides = array<i32>} : memref<64x16xf32, #tpu.memory_space<vmem>>, vector<16xf32>,
      tpu.vector_store %arg8[%swap3A_73, %swap3A_74], %gather3A_72 {strides = array<i32>} : memref<64x16xf32, #tpu.memory_space<vmem>>, vector<16xf32>,
      %gather3A_76 = tpu.vector_load_idx %arg7[%iota3A, %broadcast_in_dim3A_71] : memref<16x64xi32, #tpu.memory_space<vmem>>[vector<16xi32>, vector<16xi32>], vector<16xi32>,
      %swap3A_77 = arith.index_cast %scan3A_70 : i32 to index
      %swap3A_78 = arith.constant 0 : index
      %swap3A_79 = tpu.vector_load %arg9[%swap3A_77, %swap3A_78] {strides = array<i32>} : memref<64x16xi32, #tpu.memory_space<vmem>>, vector<16xi32>,
      tpu.vector_store %arg9[%swap3A_77, %swap3A_78], %gather3A_76 {strides = array<i32>} : memref<64x16xi32, #tpu.memory_space<vmem>>, vector<16xi32>,
      %scan3A_80 = arith.constant 0 : i32
      %scan3A_81 = arith.constant 2 : i32
      %scan3A_82 = arith.addi %scan3A_59, %scan3A_81 : i32
      %broadcast_in_dim3A_83 = vector.broadcast %scan3A_82 : i32 to vector<16xi32>
      %gather3A_84 = tpu.vector_load_idx %arg6[%iota3A, %broadcast_in_dim3A_83] : memref<16x64xf32, #tpu.memory_space<vmem>>[vector<16xi32>, vector<16xi32>], vector<16xf32>,
      %swap3A_85 = arith.index_cast %scan3A_82 : i32 to index
      %swap3A_86 = arith.constant 0 : index
      %swap3A_87 = tpu.vector_load %arg8[%swap3A_85, %swap3A_86] {strides = array<i32>} : memref<64x16xf32, #tpu.memory_space<vmem>>, vector<16xf32>,
      tpu.vector_store %arg8[%swap3A_85, %swap3A_86], %gather3A_84 {strides = array<i32>} : memref<64x16xf32, #tpu.memory_space<vmem>>, vector<16xf32>,
      %gather3A_88 = tpu.vector_load_idx %arg7[%iota3A, %broadcast_in_dim3A_83] : memref<16x64xi32, #tpu.memory_space<vmem>>[vector<16xi32>, vector<16xi32>], vector<16xi32>,
      %swap3A_89 = arith.index_cast %scan3A_82 : i32 to index
      %swap3A_90 = arith.constant 0 : index
      %swap3A_91 = tpu.vector_load %arg9[%swap3A_89, %swap3A_90] {strides = array<i32>} : memref<64x16xi32, #tpu.memory_space<vmem>>, vector<16xi32>,
      tpu.vector_store %arg9[%swap3A_89, %swap3A_90], %gather3A_88 {strides = array<i32>} : memref<64x16xi32, #tpu.memory_space<vmem>>, vector<16xi32>,
      %scan3A_92 = arith.constant 0 : i32
      %scan3A_93 = arith.constant 3 : i32
      %scan3A_94 = arith.addi %scan3A_59, %scan3A_93 : i32
      %broadcast_in_dim3A_95 = vector.broadcast %scan3A_94 : i32 to vector<16xi32>
      %gather3A_96 = tpu.vector_load_idx %arg6[%iota3A, %broadcast_in_dim3A_95] : memref<16x64xf32, #tpu.memory_space<vmem>>[vector<16xi32>, vector<16xi32>], vector<16xf32>,
      %swap3A_97 = arith.index_cast %scan3A_94 : i32 to index
      %swap3A_98 = arith.constant 0 : index
      %swap3A_99 = tpu.vector_load %arg8[%swap3A_97, %swap3A_98] {strides = array<i32>} : memref<64x16xf32, #tpu.memory_space<vmem>>, vector<16xf32>,
      tpu.vector_store %arg8[%swap3A_97, %swap3A_98], %gather3A_96 {strides = array<i32>} : memref<64x16xf32, #tpu.memory_space<vmem>>, vector<16xf32>,
      %gather3A_100 = tpu.vector_load_idx %arg7[%iota3A, %broadcast_in_dim3A_95] : memref<16x64xi32, #tpu.memory_space<vmem>>[vector<16xi32>, vector<16xi32>], vector<16xi32>,
      %swap3A_101 = arith.index_cast %scan3A_94 : i32 to index
      %swap3A_102 = arith.constant 0 : index
      %swap3A_103 = tpu.vector_load %arg9[%swap3A_101, %swap3A_102] {strides = array<i32>} : memref<64x16xi32, #tpu.memory_space<vmem>>, vector<16xi32>,
      tpu.vector_store %arg9[%swap3A_101, %swap3A_102], %gather3A_100 {strides = array<i32>} : memref<64x16xi32, #tpu.memory_space<vmem>>, vector<16xi32>,
      %scan3A_104 = arith.constant 0 : i32
      %scan3A_105 = arith.constant 4 : i32
      %scan3A_106 = arith.addi %scan3A_59, %scan3A_105 : i32
      %broadcast_in_dim3A_107 = vector.broadcast %scan3A_106 : i32 to vector<16xi32>
      %gather3A_108 = tpu.vector_load_idx %arg6[%iota3A, %broadcast_in_dim3A_107] : memref<16x64xf32, #tpu.memory_space<vmem>>[vector<16xi32>, vector<16xi32>], vector<16xf32>,
      %swap3A_109 = arith.index_cast %scan3A_106 : i32 to index
      %swap3A_110 = arith.constant 0 : index
      %swap3A_111 = tpu.vector_load %arg8[%swap3A_109, %swap3A_110] {strides = array<i32>} : memref<64x16xf32, #tpu.memory_space<vmem>>, vector<16xf32>,
      tpu.vector_store %arg8[%swap3A_109, %swap3A_110], %gather3A_108 {strides = array<i32>} : memref<64x16xf32, #tpu.memory_space<vmem>>, vector<16xf32>,
      %gather3A_112 = tpu.vector_load_idx %arg7[%iota3A, %broadcast_in_dim3A_107] : memref<16x64xi32, #tpu.memory_space<vmem>>[vector<16xi32>, vector<16xi32>], vector<16xi32>,
      %swap3A_113 = arith.index_cast %scan3A_106 : i32 to index
      %swap3A_114 = arith.constant 0 : index
      %swap3A_115 = tpu.vector_load %arg9[%swap3A_113, %swap3A_114] {strides = array<i32>} : memref<64x16xi32, #tpu.memory_space<vmem>>, vector<16xi32>,
      tpu.vector_store %arg9[%swap3A_113, %swap3A_114], %gather3A_112 {strides = array<i32>} : memref<64x16xi32, #tpu.memory_space<vmem>>, vector<16xi32>,
      %scan3A_116 = arith.constant 0 : i32
      %scan3A_117 = arith.constant 5 : i32
      %scan3A_118 = arith.addi %scan3A_59, %scan3A_117 : i32
      %broadcast_in_dim3A_119 = vector.broadcast %scan3A_118 : i32 to vector<16xi32>
      %gather3A_120 = tpu.vector_load_idx %arg6[%iota3A, %broadcast_in_dim3A_119] : memref<16x64xf32, #tpu.memory_space<vmem>>[vector<16xi32>, vector<16xi32>], vector<16xf32>,
      %swap3A_121 = arith.index_cast %scan3A_118 : i32 to index
      %swap3A_122 = arith.constant 0 : index
      %swap3A_123 = tpu.vector_load %arg8[%swap3A_121, %swap3A_122] {strides = array<i32>} : memref<64x16xf32, #tpu.memory_space<vmem>>, vector<16xf32>,
      tpu.vector_store %arg8[%swap3A_121, %swap3A_122], %gather3A_120 {strides = array<i32>} : memref<64x16xf32, #tpu.memory_space<vmem>>, vector<16xf32>,
      %gather3A_124 = tpu.vector_load_idx %arg7[%iota3A, %broadcast_in_dim3A_119] : memref<16x64xi32, #tpu.memory_space<vmem>>[vector<16xi32>, vector<16xi32>], vector<16xi32>,
      %swap3A_125 = arith.index_cast %scan3A_118 : i32 to index
      %swap3A_126 = arith.constant 0 : index
      %swap3A_127 = tpu.vector_load %arg9[%swap3A_125, %swap3A_126] {strides = array<i32>} : memref<64x16xi32, #tpu.memory_space<vmem>>, vector<16xi32>,
      tpu.vector_store %arg9[%swap3A_125, %swap3A_126], %gather3A_124 {strides = array<i32>} : memref<64x16xi32, #tpu.memory_space<vmem>>, vector<16xi32>,
      %scan3A_128 = arith.constant 0 : i32
      %scan3A_129 = arith.constant 6 : i32
      %scan3A_130 = arith.addi %scan3A_59, %scan3A_129 : i32
      %broadcast_in_dim3A_131 = vector.broadcast %scan3A_130 : i32 to vector<16xi32>
      %gather3A_132 = tpu.vector_load_idx %arg6[%iota3A, %broadcast_in_dim3A_131] : memref<16x64xf32, #tpu.memory_space<vmem>>[vector<16xi32>, vector<16xi32>], vector<16xf32>,
      %swap3A_133 = arith.index_cast %scan3A_130 : i32 to index
      %swap3A_134 = arith.constant 0 : index
      %swap3A_135 = tpu.vector_load %arg8[%swap3A_133, %swap3A_134] {strides = array<i32>} : memref<64x16xf32, #tpu.memory_space<vmem>>, vector<16xf32>,
      tpu.vector_store %arg8[%swap3A_133, %swap3A_134], %gather3A_132 {strides = array<i32>} : memref<64x16xf32, #tpu.memory_space<vmem>>, vector<16xf32>,
      %gather3A_136 = tpu.vector_load_idx %arg7[%iota3A, %broadcast_in_dim3A_131] : memref<16x64xi32, #tpu.memory_space<vmem>>[vector<16xi32>, vector<16xi32>], vector<16xi32>,
      %swap3A_137 = arith.index_cast %scan3A_130 : i32 to index
      %swap3A_138 = arith.constant 0 : index
      %swap3A_139 = tpu.vector_load %arg9[%swap3A_137, %swap3A_138] {strides = array<i32>} : memref<64x16xi32, #tpu.memory_space<vmem>>, vector<16xi32>,
      tpu.vector_store %arg9[%swap3A_137, %swap3A_138], %gather3A_136 {strides = array<i32>} : memref<64x16xi32, #tpu.memory_space<vmem>>, vector<16xi32>,
      %scan3A_140 = arith.constant 0 : i32
      %scan3A_141 = arith.constant 7 : i32
      %scan3A_142 = arith.addi %scan3A_59, %scan3A_141 : i32
      %broadcast_in_dim3A_143 = vector.broadcast %scan3A_142 : i32 to vector<16xi32>
      %gather3A_144 = tpu.vector_load_idx %arg6[%iota3A, %broadcast_in_dim3A_143] : memref<16x64xf32, #tpu.memory_space<vmem>>[vector<16xi32>, vector<16xi32>], vector<16xf32>,
      %swap3A_145 = arith.index_cast %scan3A_142 : i32 to index
      %swap3A_146 = arith.constant 0 : index
      %swap3A_147 = tpu.vector_load %arg8[%swap3A_145, %swap3A_146] {strides = array<i32>} : memref<64x16xf32, #tpu.memory_space<vmem>>, vector<16xf32>,
      tpu.vector_store %arg8[%swap3A_145, %swap3A_146], %gather3A_144 {strides = array<i32>} : memref<64x16xf32, #tpu.memory_space<vmem>>, vector<16xf32>,
      %gather3A_148 = tpu.vector_load_idx %arg7[%iota3A, %broadcast_in_dim3A_143] : memref<16x64xi32, #tpu.memory_space<vmem>>[vector<16xi32>, vector<16xi32>], vector<16xi32>,
      %swap3A_149 = arith.index_cast %scan3A_142 : i32 to index
      %swap3A_150 = arith.constant 0 : index
      %swap3A_151 = tpu.vector_load %arg9[%swap3A_149, %swap3A_150] {strides = array<i32>} : memref<64x16xi32, #tpu.memory_space<vmem>>, vector<16xi32>,
      tpu.vector_store %arg9[%swap3A_149, %swap3A_150], %gather3A_148 {strides = array<i32>} : memref<64x16xi32, #tpu.memory_space<vmem>>, vector<16xi32>,
      %scan3A_152 = arith.constant 0 : i32
      scf.yield %scan3A_152 : i32
    }
    %scan3A_9 = arith.constant 64 : i32
    %scan3A_10 = arith.constant 0 : i32
    %scan3A_11 = arith.constant 0 : i32
    %scan3A_12 = arith.constant 1000 : i32
    %scan3A_13 = arith.addi %scan3A_11, %scan3A_12 : i32
    %scan3A_14 = arith.constant 8 : i32
    %scan3A_15 = scf.for %scan3A_59 = %scan3A_11 to %scan3A_13 step %scan3A_14 iter_args(%scan3A_60 = %scan3A_10) -> (i32)  : i32 {
      %mul3A_61 = arith.constant 16 : i32
      %mul3A_62 = arith.muli %scan3A_59, %mul3A_61 : i32
      %swap3A = arith.index_cast %mul3A_62 : i32 to index
      %swap3A_63 = tpu.vector_load %arg12[%swap3A] {strides = array<i32>} : memref<16000xi32, #tpu.memory_space<vmem>>, vector<16xi32>,
      tpu.vector_store %arg12[%swap3A], %broadcast_in_dim3A_3 {strides = array<i32>} : memref<16000xi32, #tpu.memory_space<vmem>>, vector<16xi32>,
      %scan3A_64 = arith.constant 0 : i32
      %scan3A_65 = arith.constant 1 : i32
      %scan3A_66 = arith.addi %scan3A_59, %scan3A_65 : i32
      %mul3A_67 = arith.constant 16 : i32
      %mul3A_68 = arith.muli %scan3A_66, %mul3A_67 : i32
      %swap3A_69 = arith.index_cast %mul3A_68 : i32 to index
      %swap3A_70 = tpu.vector_load %arg12[%swap3A_69] {strides = array<i32>} : memref<16000xi32, #tpu.memory_space<vmem>>, vector<16xi32>,
      tpu.vector_store %arg12[%swap3A_69], %broadcast_in_dim3A_3 {strides = array<i32>} : memref<16000xi32, #tpu.memory_space<vmem>>, vector<16xi32>,
      %scan3A_71 = arith.constant 0 : i32
      %scan3A_72 = arith.constant 2 : i32
      %scan3A_73 = arith.addi %scan3A_59, %scan3A_72 : i32
      %mul3A_74 = arith.constant 16 : i32
      %mul3A_75 = arith.muli %scan3A_73, %mul3A_74 : i32
      %swap3A_76 = arith.index_cast %mul3A_75 : i32 to index
      %swap3A_77 = tpu.vector_load %arg12[%swap3A_76] {strides = array<i32>} : memref<16000xi32, #tpu.memory_space<vmem>>, vector<16xi32>,
      tpu.vector_store %arg12[%swap3A_76], %broadcast_in_dim3A_3 {strides = array<i32>} : memref<16000xi32, #tpu.memory_space<vmem>>, vector<16xi32>,
      %scan3A_78 = arith.constant 0 : i32
      %scan3A_79 = arith.constant 3 : i32
      %scan3A_80 = arith.addi %scan3A_59, %scan3A_79 : i32
      %mul3A_81 = arith.constant 16 : i32
      %mul3A_82 = arith.muli %scan3A_80, %mul3A_81 : i32
      %swap3A_83 = arith.index_cast %mul3A_82 : i32 to index
      %swap3A_84 = tpu.vector_load %arg12[%swap3A_83] {strides = array<i32>} : memref<16000xi32, #tpu.memory_space<vmem>>, vector<16xi32>,
      tpu.vector_store %arg12[%swap3A_83], %broadcast_in_dim3A_3 {strides = array<i32>} : memref<16000xi32, #tpu.memory_space<vmem>>, vector<16xi32>,
      %scan3A_85 = arith.constant 0 : i32
      %scan3A_86 = arith.constant 4 : i32
      %scan3A_87 = arith.addi %scan3A_59, %scan3A_86 : i32
      %mul3A_88 = arith.constant 16 : i32
      %mul3A_89 = arith.muli %scan3A_87, %mul3A_88 : i32
      %swap3A_90 = arith.index_cast %mul3A_89 : i32 to index
      %swap3A_91 = tpu.vector_load %arg12[%swap3A_90] {strides = array<i32>} : memref<16000xi32, #tpu.memory_space<vmem>>, vector<16xi32>,
      tpu.vector_store %arg12[%swap3A_90], %broadcast_in_dim3A_3 {strides = array<i32>} : memref<16000xi32, #tpu.memory_space<vmem>>, vector<16xi32>,
      %scan3A_92 = arith.constant 0 : i32
      %scan3A_93 = arith.constant 5 : i32
      %scan3A_94 = arith.addi %scan3A_59, %scan3A_93 : i32
      %mul3A_95 = arith.constant 16 : i32
      %mul3A_96 = arith.muli %scan3A_94, %mul3A_95 : i32
      %swap3A_97 = arith.index_cast %mul3A_96 : i32 to index
      %swap3A_98 = tpu.vector_load %arg12[%swap3A_97] {strides = array<i32>} : memref<16000xi32, #tpu.memory_space<vmem>>, vector<16xi32>,
      tpu.vector_store %arg12[%swap3A_97], %broadcast_in_dim3A_3 {strides = array<i32>} : memref<16000xi32, #tpu.memory_space<vmem>>, vector<16xi32>,
      %scan3A_99 = arith.constant 0 : i32
      %scan3A_100 = arith.constant 6 : i32
      %scan3A_101 = arith.addi %scan3A_59, %scan3A_100 : i32
      %mul3A_102 = arith.constant 16 : i32
      %mul3A_103 = arith.muli %scan3A_101, %mul3A_102 : i32
      %swap3A_104 = arith.index_cast %mul3A_103 : i32 to index
      %swap3A_105 = tpu.vector_load %arg12[%swap3A_104] {strides = array<i32>} : memref<16000xi32, #tpu.memory_space<vmem>>, vector<16xi32>,
      tpu.vector_store %arg12[%swap3A_104], %broadcast_in_dim3A_3 {strides = array<i32>} : memref<16000xi32, #tpu.memory_space<vmem>>, vector<16xi32>,
      %scan3A_106 = arith.constant 0 : i32
      %scan3A_107 = arith.constant 7 : i32
      %scan3A_108 = arith.addi %scan3A_59, %scan3A_107 : i32
      %mul3A_109 = arith.constant 16 : i32
      %mul3A_110 = arith.muli %scan3A_108, %mul3A_109 : i32
      %swap3A_111 = arith.index_cast %mul3A_110 : i32 to index
      %swap3A_112 = tpu.vector_load %arg12[%swap3A_111] {strides = array<i32>} : memref<16000xi32, #tpu.memory_space<vmem>>, vector<16xi32>,
      tpu.vector_store %arg12[%swap3A_111], %broadcast_in_dim3A_3 {strides = array<i32>} : memref<16000xi32, #tpu.memory_space<vmem>>, vector<16xi32>,
      %scan3A_113 = arith.constant 0 : i32
      scf.yield %scan3A_113 : i32
    }
    %scan3A_16 = arith.constant 1000 : i32
    %scan3A_17 = arith.constant 0 : i32
    %scan3A_18 = arith.constant 32 : i32
    %scan3A_19 = arith.addi %scan3A_17, %scan3A_18 : i32
    %scan3A_20 = arith.constant 1 : i32
    %scan3A_21 = scf.for %scan3A_59 = %scan3A_17 to %scan3A_19 step %scan3A_20 iter_args(%scan3A_60 = %broadcast_in_dim3A_3) -> (vector<16xi32>)  : i32 {
      %mul3A_61 = arith.constant 2 : i32
      %mul3A_62 = arith.muli %mul3A_61, %scan3A_59 : i32
      %get3A = arith.index_cast %mul3A_62 : i32 to index
      %get3A_63 = arith.constant 0 : index
      %get3A_64 = tpu.vector_load %arg8[%get3A, %get3A_63] {strides = array<i32>} : memref<64x16xf32, #tpu.memory_space<vmem>>, vector<16xf32>,
      %mul3A_65 = arith.constant 2 : i32
      %mul3A_66 = arith.muli %mul3A_65, %scan3A_59 : i32
      %add3A_67 = arith.constant 1 : i32
      %add3A_68 = arith.addi %mul3A_66, %add3A_67 : i32
      %get3A_69 = arith.index_cast %add3A_68 : i32 to index
      %get3A_70 = arith.constant 0 : index
      %get3A_71 = tpu.vector_load %arg8[%get3A_69, %get3A_70] {strides = array<i32>} : memref<64x16xf32, #tpu.memory_space<vmem>>, vector<16xf32>,
      %scan3A_72 = arith.constant 0 : i32
      %scan3A_73 = arith.constant 64 : i32
      %scan3A_74 = arith.addi %scan3A_72, %scan3A_73 : i32
      %scan3A_75 = arith.constant 8 : i32
      %scan3A_76:2 = scf.for %scan3A_91 = %scan3A_72 to %scan3A_74 step %scan3A_75 iter_args(%scan3A_92 = %broadcast_in_dim3A_3, %scan3A_93 = %broadcast_in_dim3A_3) -> (vector<16xi32>, vector<16xi32>)  : i32 {
        %get3A_94 = arith.index_cast %scan3A_91 : i32 to index
        %get3A_95 = arith.constant 0 : index
        %get3A_96 = tpu.vector_load %arg8[%get3A_94, %get3A_95] {strides = array<i32>} : memref<64x16xf32, #tpu.memory_space<vmem>>, vector<16xf32>,
        %lt3A = arith.cmpf olt, %get3A_96, %get3A_64 : vector<16xf32>
        %jit3A_97 = arith.constant 1 : i32
        %jit3A_98 = arith.constant 0 : i32
        %broadcast_in_dim3A_99 = vector.broadcast %jit3A_97 : i32 to vector<16xi32>
        %broadcast_in_dim3A_100 = vector.broadcast %jit3A_98 : i32 to vector<16xi32>
        %select_n3A_101 = arith.select %lt3A, %broadcast_in_dim3A_99, %broadcast_in_dim3A_100 : vector<16xi1>, vector<16xi32>
        %add3A_102 = arith.addi %scan3A_92, %select_n3A_101 : vector<16xi32>
        %lt3A_103 = arith.cmpf olt, %get3A_96, %get3A_71 : vector<16xf32>
        %jit3A_104 = arith.constant 1 : i32
        %jit3A_105 = arith.constant 0 : i32
        %broadcast_in_dim3A_106 = vector.broadcast %jit3A_104 : i32 to vector<16xi32>
        %broadcast_in_dim3A_107 = vector.broadcast %jit3A_105 : i32 to vector<16xi32>
        %select_n3A_108 = arith.select %lt3A_103, %broadcast_in_dim3A_106, %broadcast_in_dim3A_107 : vector<16xi1>, vector<16xi32>
        %add3A_109 = arith.addi %scan3A_93, %select_n3A_108 : vector<16xi32>
        %scan3A_110 = arith.constant 1 : i32
        %scan3A_111 = arith.addi %scan3A_91, %scan3A_110 : i32
        %get3A_112 = arith.index_cast %scan3A_111 : i32 to index
        %get3A_113 = arith.constant 0 : index
        %get3A_114 = tpu.vector_load %arg8[%get3A_112, %get3A_113] {strides = array<i32>} : memref<64x16xf32, #tpu.memory_space<vmem>>, vector<16xf32>,
        %lt3A_115 = arith.cmpf olt, %get3A_114, %get3A_64 : vector<16xf32>
        %jit3A_116 = arith.constant 1 : i32
        %jit3A_117 = arith.constant 0 : i32
        %broadcast_in_dim3A_118 = vector.broadcast %jit3A_116 : i32 to vector<16xi32>
        %broadcast_in_dim3A_119 = vector.broadcast %jit3A_117 : i32 to vector<16xi32>
        %select_n3A_120 = arith.select %lt3A_115, %broadcast_in_dim3A_118, %broadcast_in_dim3A_119 : vector<16xi1>, vector<16xi32>
        %add3A_121 = arith.addi %add3A_102, %select_n3A_120 : vector<16xi32>
        %lt3A_122 = arith.cmpf olt, %get3A_114, %get3A_71 : vector<16xf32>
        %jit3A_123 = arith.constant 1 : i32
        %jit3A_124 = arith.constant 0 : i32
        %broadcast_in_dim3A_125 = vector.broadcast %jit3A_123 : i32 to vector<16xi32>
        %broadcast_in_dim3A_126 = vector.broadcast %jit3A_124 : i32 to vector<16xi32>
        %select_n3A_127 = arith.select %lt3A_122, %broadcast_in_dim3A_125, %broadcast_in_dim3A_126 : vector<16xi1>, vector<16xi32>
        %add3A_128 = arith.addi %add3A_109, %select_n3A_127 : vector<16xi32>
        %scan3A_129 = arith.constant 2 : i32
        %scan3A_130 = arith.addi %scan3A_91, %scan3A_129 : i32
        %get3A_131 = arith.index_cast %scan3A_130 : i32 to index
        %get3A_132 = arith.constant 0 : index
        %get3A_133 = tpu.vector_load %arg8[%get3A_131, %get3A_132] {strides = array<i32>} : memref<64x16xf32, #tpu.memory_space<vmem>>, vector<16xf32>,
        %lt3A_134 = arith.cmpf olt, %get3A_133, %get3A_64 : vector<16xf32>
        %jit3A_135 = arith.constant 1 : i32
        %jit3A_136 = arith.constant 0 : i32
        %broadcast_in_dim3A_137 = vector.broadcast %jit3A_135 : i32 to vector<16xi32>
        %broadcast_in_dim3A_138 = vector.broadcast %jit3A_136 : i32 to vector<16xi32>
        %select_n3A_139 = arith.select %lt3A_134, %broadcast_in_dim3A_137, %broadcast_in_dim3A_138 : vector<16xi1>, vector<16xi32>
        %add3A_140 = arith.addi %add3A_121, %select_n3A_139 : vector<16xi32>
        %lt3A_141 = arith.cmpf olt, %get3A_133, %get3A_71 : vector<16xf32>
        %jit3A_142 = arith.constant 1 : i32
        %jit3A_143 = arith.constant 0 : i32
        %broadcast_in_dim3A_144 = vector.broadcast %jit3A_142 : i32 to vector<16xi32>
        %broadcast_in_dim3A_145 = vector.broadcast %jit3A_143 : i32 to vector<16xi32>
        %select_n3A_146 = arith.select %lt3A_141, %broadcast_in_dim3A_144, %broadcast_in_dim3A_145 : vector<16xi1>, vector<16xi32>
        %add3A_147 = arith.addi %add3A_128, %select_n3A_146 : vector<16xi32>
        %scan3A_148 = arith.constant 3 : i32
        %scan3A_149 = arith.addi %scan3A_91, %scan3A_148 : i32
        %get3A_150 = arith.index_cast %scan3A_149 : i32 to index
        %get3A_151 = arith.constant 0 : index
        %get3A_152 = tpu.vector_load %arg8[%get3A_150, %get3A_151] {strides = array<i32>} : memref<64x16xf32, #tpu.memory_space<vmem>>, vector<16xf32>,
        %lt3A_153 = arith.cmpf olt, %get3A_152, %get3A_64 : vector<16xf32>
        %jit3A_154 = arith.constant 1 : i32
        %jit3A_155 = arith.constant 0 : i32
        %broadcast_in_dim3A_156 = vector.broadcast %jit3A_154 : i32 to vector<16xi32>
        %broadcast_in_dim3A_157 = vector.broadcast %jit3A_155 : i32 to vector<16xi32>
        %select_n3A_158 = arith.select %lt3A_153, %broadcast_in_dim3A_156, %broadcast_in_dim3A_157 : vector<16xi1>, vector<16xi32>
        %add3A_159 = arith.addi %add3A_140, %select_n3A_158 : vector<16xi32>
        %lt3A_160 = arith.cmpf olt, %get3A_152, %get3A_71 : vector<16xf32>
        %jit3A_161 = arith.constant 1 : i32
        %jit3A_162 = arith.constant 0 : i32
        %broadcast_in_dim3A_163 = vector.broadcast %jit3A_161 : i32 to vector<16xi32>
        %broadcast_in_dim3A_164 = vector.broadcast %jit3A_162 : i32 to vector<16xi32>
        %select_n3A_165 = arith.select %lt3A_160, %broadcast_in_dim3A_163, %broadcast_in_dim3A_164 : vector<16xi1>, vector<16xi32>
        %add3A_166 = arith.addi %add3A_147, %select_n3A_165 : vector<16xi32>
        %scan3A_167 = arith.constant 4 : i32
        %scan3A_168 = arith.addi %scan3A_91, %scan3A_167 : i32
        %get3A_169 = arith.index_cast %scan3A_168 : i32 to index
        %get3A_170 = arith.constant 0 : index
        %get3A_171 = tpu.vector_load %arg8[%get3A_169, %get3A_170] {strides = array<i32>} : memref<64x16xf32, #tpu.memory_space<vmem>>, vector<16xf32>,
        %lt3A_172 = arith.cmpf olt, %get3A_171, %get3A_64 : vector<16xf32>
        %jit3A_173 = arith.constant 1 : i32
        %jit3A_174 = arith.constant 0 : i32
        %broadcast_in_dim3A_175 = vector.broadcast %jit3A_173 : i32 to vector<16xi32>
        %broadcast_in_dim3A_176 = vector.broadcast %jit3A_174 : i32 to vector<16xi32>
        %select_n3A_177 = arith.select %lt3A_172, %broadcast_in_dim3A_175, %broadcast_in_dim3A_176 : vector<16xi1>, vector<16xi32>
        %add3A_178 = arith.addi %add3A_159, %select_n3A_177 : vector<16xi32>
        %lt3A_179 = arith.cmpf olt, %get3A_171, %get3A_71 : vector<16xf32>
        %jit3A_180 = arith.constant 1 : i32
        %jit3A_181 = arith.constant 0 : i32
        %broadcast_in_dim3A_182 = vector.broadcast %jit3A_180 : i32 to vector<16xi32>
        %broadcast_in_dim3A_183 = vector.broadcast %jit3A_181 : i32 to vector<16xi32>
        %select_n3A_184 = arith.select %lt3A_179, %broadcast_in_dim3A_182, %broadcast_in_dim3A_183 : vector<16xi1>, vector<16xi32>
        %add3A_185 = arith.addi %add3A_166, %select_n3A_184 : vector<16xi32>
        %scan3A_186 = arith.constant 5 : i32
        %scan3A_187 = arith.addi %scan3A_91, %scan3A_186 : i32
        %get3A_188 = arith.index_cast %scan3A_187 : i32 to index
        %get3A_189 = arith.constant 0 : index
        %get3A_190 = tpu.vector_load %arg8[%get3A_188, %get3A_189] {strides = array<i32>} : memref<64x16xf32, #tpu.memory_space<vmem>>, vector<16xf32>,
        %lt3A_191 = arith.cmpf olt, %get3A_190, %get3A_64 : vector<16xf32>
        %jit3A_192 = arith.constant 1 : i32
        %jit3A_193 = arith.constant 0 : i32
        %broadcast_in_dim3A_194 = vector.broadcast %jit3A_192 : i32 to vector<16xi32>
        %broadcast_in_dim3A_195 = vector.broadcast %jit3A_193 : i32 to vector<16xi32>
        %select_n3A_196 = arith.select %lt3A_191, %broadcast_in_dim3A_194, %broadcast_in_dim3A_195 : vector<16xi1>, vector<16xi32>
        %add3A_197 = arith.addi %add3A_178, %select_n3A_196 : vector<16xi32>
        %lt3A_198 = arith.cmpf olt, %get3A_190, %get3A_71 : vector<16xf32>
        %jit3A_199 = arith.constant 1 : i32
        %jit3A_200 = arith.constant 0 : i32
        %broadcast_in_dim3A_201 = vector.broadcast %jit3A_199 : i32 to vector<16xi32>
        %broadcast_in_dim3A_202 = vector.broadcast %jit3A_200 : i32 to vector<16xi32>
        %select_n3A_203 = arith.select %lt3A_198, %broadcast_in_dim3A_201, %broadcast_in_dim3A_202 : vector<16xi1>, vector<16xi32>
        %add3A_204 = arith.addi %add3A_185, %select_n3A_203 : vector<16xi32>
        %scan3A_205 = arith.constant 6 : i32
        %scan3A_206 = arith.addi %scan3A_91, %scan3A_205 : i32
        %get3A_207 = arith.index_cast %scan3A_206 : i32 to index
        %get3A_208 = arith.constant 0 : index
        %get3A_209 = tpu.vector_load %arg8[%get3A_207, %get3A_208] {strides = array<i32>} : memref<64x16xf32, #tpu.memory_space<vmem>>, vector<16xf32>,
        %lt3A_210 = arith.cmpf olt, %get3A_209, %get3A_64 : vector<16xf32>
        %jit3A_211 = arith.constant 1 : i32
        %jit3A_212 = arith.constant 0 : i32
        %broadcast_in_dim3A_213 = vector.broadcast %jit3A_211 : i32 to vector<16xi32>
        %broadcast_in_dim3A_214 = vector.broadcast %jit3A_212 : i32 to vector<16xi32>
        %select_n3A_215 = arith.select %lt3A_210, %broadcast_in_dim3A_213, %broadcast_in_dim3A_214 : vector<16xi1>, vector<16xi32>
        %add3A_216 = arith.addi %add3A_197, %select_n3A_215 : vector<16xi32>
        %lt3A_217 = arith.cmpf olt, %get3A_209, %get3A_71 : vector<16xf32>
        %jit3A_218 = arith.constant 1 : i32
        %jit3A_219 = arith.constant 0 : i32
        %broadcast_in_dim3A_220 = vector.broadcast %jit3A_218 : i32 to vector<16xi32>
        %broadcast_in_dim3A_221 = vector.broadcast %jit3A_219 : i32 to vector<16xi32>
        %select_n3A_222 = arith.select %lt3A_217, %broadcast_in_dim3A_220, %broadcast_in_dim3A_221 : vector<16xi1>, vector<16xi32>
        %add3A_223 = arith.addi %add3A_204, %select_n3A_222 : vector<16xi32>
        %scan3A_224 = arith.constant 7 : i32
        %scan3A_225 = arith.addi %scan3A_91, %scan3A_224 : i32
        %get3A_226 = arith.index_cast %scan3A_225 : i32 to index
        %get3A_227 = arith.constant 0 : index
        %get3A_228 = tpu.vector_load %arg8[%get3A_226, %get3A_227] {strides = array<i32>} : memref<64x16xf32, #tpu.memory_space<vmem>>, vector<16xf32>,
        %lt3A_229 = arith.cmpf olt, %get3A_228, %get3A_64 : vector<16xf32>
        %jit3A_230 = arith.constant 1 : i32
        %jit3A_231 = arith.constant 0 : i32
        %broadcast_in_dim3A_232 = vector.broadcast %jit3A_230 : i32 to vector<16xi32>
        %broadcast_in_dim3A_233 = vector.broadcast %jit3A_231 : i32 to vector<16xi32>
        %select_n3A_234 = arith.select %lt3A_229, %broadcast_in_dim3A_232, %broadcast_in_dim3A_233 : vector<16xi1>, vector<16xi32>
        %add3A_235 = arith.addi %add3A_216, %select_n3A_234 : vector<16xi32>
        %lt3A_236 = arith.cmpf olt, %get3A_228, %get3A_71 : vector<16xf32>
        %jit3A_237 = arith.constant 1 : i32
        %jit3A_238 = arith.constant 0 : i32
        %broadcast_in_dim3A_239 = vector.broadcast %jit3A_237 : i32 to vector<16xi32>
        %broadcast_in_dim3A_240 = vector.broadcast %jit3A_238 : i32 to vector<16xi32>
        %select_n3A_241 = arith.select %lt3A_236, %broadcast_in_dim3A_239, %broadcast_in_dim3A_240 : vector<16xi1>, vector<16xi32>
        %add3A_242 = arith.addi %add3A_223, %select_n3A_241 : vector<16xi32>
        scf.yield %add3A_235, %add3A_242 : vector<16xi32>, vector<16xi32>
      }
      %scan3A_77 = arith.constant 64 : i32
      %mul3A_78 = arith.constant 2 : i32
      %mul3A_79 = arith.muli %mul3A_78, %scan3A_59 : i32
      %swap3A = arith.index_cast %mul3A_79 : i32 to index
      %swap3A_80 = arith.constant 0 : index
      %swap3A_81 = tpu.vector_load %arg10[%swap3A, %swap3A_80] {strides = array<i32>} : memref<64x16xi32, #tpu.memory_space<vmem>>, vector<16xi32>,
      tpu.vector_store %arg10[%swap3A, %swap3A_80], %scan3A_76#0 {strides = array<i32>} : memref<64x16xi32, #tpu.memory_space<vmem>>, vector<16xi32>,
      %mul3A_82 = arith.constant 2 : i32
      %mul3A_83 = arith.muli %mul3A_82, %scan3A_59 : i32
      %add3A_84 = arith.constant 1 : i32
      %add3A_85 = arith.addi %mul3A_83, %add3A_84 : i32
      %swap3A_86 = arith.index_cast %add3A_85 : i32 to index
      %swap3A_87 = arith.constant 0 : index
      %swap3A_88 = tpu.vector_load %arg10[%swap3A_86, %swap3A_87] {strides = array<i32>} : memref<64x16xi32, #tpu.memory_space<vmem>>, vector<16xi32>,
      tpu.vector_store %arg10[%swap3A_86, %swap3A_87], %scan3A_76#1 {strides = array<i32>} : memref<64x16xi32, #tpu.memory_space<vmem>>, vector<16xi32>,
      %add3A_89 = arith.addi %scan3A_60, %scan3A_76#0 : vector<16xi32>
      %add3A_90 = arith.addi %add3A_89, %scan3A_76#1 : vector<16xi32>
      scf.yield %add3A_90 : vector<16xi32>
    }
    %scan3A_22 = arith.constant 32 : i32
    %ne3A = arith.constant 2016 : i32
    %ne3A_23 = vector.broadcast %ne3A : i32 to vector<16xi32>
    %ne3A_24 = arith.cmpi ne, %scan3A_21, %ne3A_23 : vector<16xi32>
    %jit3A = arith.constant 1 : i32
    %jit3A_25 = arith.constant 0 : i32
    %broadcast_in_dim3A_26 = vector.broadcast %jit3A : i32 to vector<16xi32>
    %broadcast_in_dim3A_27 = vector.broadcast %jit3A_25 : i32 to vector<16xi32>
    %select_n3A = arith.select %ne3A_24, %broadcast_in_dim3A_26, %broadcast_in_dim3A_27 : vector<16xi1>, vector<16xi32>
    %reduce_max3A = arith.constant true
    %reduce_max3A_28 = vector.broadcast %reduce_max3A : i1 to vector<16xi1>
    %reduce_max3A_29 = arith.constant -2147483648 : i32
    %reduce_max3A_30 = vector.broadcast %reduce_max3A_29 : i32 to vector<16xi32>
    %reduce_max3A_31 = arith.xori %select_n3A, %reduce_max3A_30 : vector<16xi32>
    %reduce_max3A_32 = tpu.scan <max>, %reduce_max3A_31 masked %reduce_max3A_28 : vector<16xi32>, vector<16xi1> -> vector<16xi32>
    %reduce_max3A_33 = arith.xori %reduce_max3A_32, %reduce_max3A_30 : vector<16xi32>
    %reduce_max3A_34 = vector.extract %reduce_max3A_33[15] : i32 from vector<16xi32>
    %gt3A = arith.constant 0 : i32
    %gt3A_35 = arith.cmpi sgt, %reduce_max3A_34, %gt3A : i32
    %convert_element_type3A = arith.extui %gt3A_35 : i1 to i32
    %cond3A = arith.constant 0 : i32
    %cond3A_36 = arith.cmpi ne, %convert_element_type3A, %cond3A : i32
    scf.if %cond3A_36 {
      %scan3A_59 = arith.constant 0 : i32
      %scan3A_60 = arith.constant 0 : i32
      %scan3A_61 = arith.constant 64 : i32
      %scan3A_62 = arith.addi %scan3A_60, %scan3A_61 : i32
      %scan3A_63 = arith.constant 1 : i32
      %scan3A_64 = scf.for %scan3A_66 = %scan3A_60 to %scan3A_62 step %scan3A_63 iter_args(%scan3A_67 = %scan3A_59) -> (i32)  : i32 {
        %get3A = arith.index_cast %scan3A_66 : i32 to index
        %get3A_68 = arith.constant 0 : index
        %get3A_69 = tpu.vector_load %arg8[%get3A, %get3A_68] {strides = array<i32>} : memref<64x16xf32, #tpu.memory_space<vmem>>, vector<16xf32>,
        %while3A = arith.constant 0 : i32
        %while3A_70 = arith.subi %scan3A_66, %while3A : i32
        %while3A_71 = arith.addi %while3A, %while3A_70 : i32
        %while3A_72 = arith.constant 1 : i32
        %while3A_73 = arith.divsi %while3A_70, %while3A_72 : i32
        %while3A_74 = arith.muli %while3A_73, %while3A_72 : i32
        %while3A_75 = arith.addi %while3A, %while3A_74 : i32
        %while3A_76 = arith.constant 1 : i32
        %while3A_77 = scf.for %while3A_87 = %while3A to %while3A_75 step %while3A_76 iter_args(%while3A_88 = %broadcast_in_dim3A_3) -> (vector<16xi32>)  : i32 {
          %get3A_89 = arith.index_cast %while3A_87 : i32 to index
          %get3A_90 = arith.constant 0 : index
          %get3A_91 = tpu.vector_load %arg8[%get3A_89, %get3A_90] {strides = array<i32>} : memref<64x16xf32, #tpu.memory_space<vmem>>, vector<16xf32>,
          %eq3A = arith.cmpf oeq, %get3A_91, %get3A_69 : vector<16xf32>
          %jit3A_92 = arith.constant 1 : i32
          %jit3A_93 = arith.constant 0 : i32
          %broadcast_in_dim3A_94 = vector.broadcast %jit3A_92 : i32 to vector<16xi32>
          %broadcast_in_dim3A_95 = vector.broadcast %jit3A_93 : i32 to vector<16xi32>
          %select_n3A_96 = arith.select %eq3A, %broadcast_in_dim3A_94, %broadcast_in_dim3A_95 : vector<16xi1>, vector<16xi32>
          %add3A_97 = arith.addi %while3A_88, %select_n3A_96 : vector<16xi32>
          scf.yield %add3A_97 : vector<16xi32>
        }
        %while3A_78 = arith.constant 1 : i32
        %while3A_79 = scf.for %while3A_87 = %while3A_75 to %while3A_71 step %while3A_78 iter_args(%while3A_88 = %while3A_77) -> (vector<16xi32>)  : i32 {
          %get3A_89 = arith.index_cast %while3A_87 : i32 to index
          %get3A_90 = arith.constant 0 : index
          %get3A_91 = tpu.vector_load %arg8[%get3A_89, %get3A_90] {strides = array<i32>} : memref<64x16xf32, #tpu.memory_space<vmem>>, vector<16xf32>,
          %eq3A = arith.cmpf oeq, %get3A_91, %get3A_69 : vector<16xf32>
          %jit3A_92 = arith.constant 1 : i32
          %jit3A_93 = arith.constant 0 : i32
          %broadcast_in_dim3A_94 = vector.broadcast %jit3A_92 : i32 to vector<16xi32>
          %broadcast_in_dim3A_95 = vector.broadcast %jit3A_93 : i32 to vector<16xi32>
          %select_n3A_96 = arith.select %eq3A, %broadcast_in_dim3A_94, %broadcast_in_dim3A_95 : vector<16xi1>, vector<16xi32>
          %add3A_97 = arith.addi %while3A_88, %select_n3A_96 : vector<16xi32>
          scf.yield %add3A_97 : vector<16xi32>
        }
        %get3A_80 = arith.index_cast %scan3A_66 : i32 to index
        %get3A_81 = arith.constant 0 : index
        %get3A_82 = tpu.vector_load %arg10[%get3A_80, %get3A_81] {strides = array<i32>} : memref<64x16xi32, #tpu.memory_space<vmem>>, vector<16xi32>,
        %add3A_83 = arith.addi %get3A_82, %while3A_79 : vector<16xi32>
        %swap3A = arith.index_cast %scan3A_66 : i32 to index
        %swap3A_84 = arith.constant 0 : index
        %swap3A_85 = tpu.vector_load %arg10[%swap3A, %swap3A_84] {strides = array<i32>} : memref<64x16xi32, #tpu.memory_space<vmem>>, vector<16xi32>,
        tpu.vector_store %arg10[%swap3A, %swap3A_84], %add3A_83 {strides = array<i32>} : memref<64x16xi32, #tpu.memory_space<vmem>>, vector<16xi32>,
        %scan3A_86 = arith.constant 0 : i32
        scf.yield %scan3A_86 : i32
      }
      %scan3A_65 = arith.constant 64 : i32
    } else {
    }
    %scan3A_37 = arith.constant 0 : i32
    %scan3A_38 = arith.constant 0 : i32
    %scan3A_39 = arith.constant 64 : i32
    %scan3A_40 = arith.addi %scan3A_38, %scan3A_39 : i32
    %scan3A_41 = arith.constant 8 : i32
    %scan3A_42 = scf.for %scan3A_59 = %scan3A_38 to %scan3A_40 step %scan3A_41 iter_args(%scan3A_60 = %scan3A_37) -> (i32)  : i32 {
      %get3A = arith.index_cast %scan3A_59 : i32 to index
      %get3A_61 = arith.constant 0 : index
      %get3A_62 = tpu.vector_load %arg10[%get3A, %get3A_61] {strides = array<i32>} : memref<64x16xi32, #tpu.memory_space<vmem>>, vector<16xi32>,
      %mul3A_63 = arith.constant 16 : i32
      %mul3A_64 = vector.broadcast %mul3A_63 : i32 to vector<16xi32>
      %mul3A_65 = arith.muli %get3A_62, %mul3A_64 : vector<16xi32>
      %add3A_66 = arith.addi %mul3A_65, %iota3A : vector<16xi32>
      %get3A_67 = arith.index_cast %scan3A_59 : i32 to index
      %get3A_68 = arith.constant 0 : index
      %get3A_69 = tpu.vector_load %arg9[%get3A_67, %get3A_68] {strides = array<i32>} : memref<64x16xi32, #tpu.memory_space<vmem>>, vector<16xi32>,
      tpu.vector_store_idx %arg11[%add3A_66], %get3A_69 : memref<1024xi32, #tpu.memory_space<vmem>>[vector<16xi32>], vector<16xi32>,
      %scan3A_70 = arith.constant 0 : i32
      %scan3A_71 = arith.constant 1 : i32
      %scan3A_72 = arith.addi %scan3A_59, %scan3A_71 : i32
      %get3A_73 = arith.index_cast %scan3A_72 : i32 to index
      %get3A_74 = arith.constant 0 : index
      %get3A_75 = tpu.vector_load %arg10[%get3A_73, %get3A_74] {strides = array<i32>} : memref<64x16xi32, #tpu.memory_space<vmem>>, vector<16xi32>,
      %mul3A_76 = arith.constant 16 : i32
      %mul3A_77 = vector.broadcast %mul3A_76 : i32 to vector<16xi32>
      %mul3A_78 = arith.muli %get3A_75, %mul3A_77 : vector<16xi32>
      %add3A_79 = arith.addi %mul3A_78, %iota3A : vector<16xi32>
      %get3A_80 = arith.index_cast %scan3A_72 : i32 to index
      %get3A_81 = arith.constant 0 : index
      %get3A_82 = tpu.vector_load %arg9[%get3A_80, %get3A_81] {strides = array<i32>} : memref<64x16xi32, #tpu.memory_space<vmem>>, vector<16xi32>,
      tpu.vector_store_idx %arg11[%add3A_79], %get3A_82 : memref<1024xi32, #tpu.memory_space<vmem>>[vector<16xi32>], vector<16xi32>,
      %scan3A_83 = arith.constant 0 : i32
      %scan3A_84 = arith.constant 2 : i32
      %scan3A_85 = arith.addi %scan3A_59, %scan3A_84 : i32
      %get3A_86 = arith.index_cast %scan3A_85 : i32 to index
      %get3A_87 = arith.constant 0 : index
      %get3A_88 = tpu.vector_load %arg10[%get3A_86, %get3A_87] {strides = array<i32>} : memref<64x16xi32, #tpu.memory_space<vmem>>, vector<16xi32>,
      %mul3A_89 = arith.constant 16 : i32
      %mul3A_90 = vector.broadcast %mul3A_89 : i32 to vector<16xi32>
      %mul3A_91 = arith.muli %get3A_88, %mul3A_90 : vector<16xi32>
      %add3A_92 = arith.addi %mul3A_91, %iota3A : vector<16xi32>
      %get3A_93 = arith.index_cast %scan3A_85 : i32 to index
      %get3A_94 = arith.constant 0 : index
      %get3A_95 = tpu.vector_load %arg9[%get3A_93, %get3A_94] {strides = array<i32>} : memref<64x16xi32, #tpu.memory_space<vmem>>, vector<16xi32>,
      tpu.vector_store_idx %arg11[%add3A_92], %get3A_95 : memref<1024xi32, #tpu.memory_space<vmem>>[vector<16xi32>], vector<16xi32>,
      %scan3A_96 = arith.constant 0 : i32
      %scan3A_97 = arith.constant 3 : i32
      %scan3A_98 = arith.addi %scan3A_59, %scan3A_97 : i32
      %get3A_99 = arith.index_cast %scan3A_98 : i32 to index
      %get3A_100 = arith.constant 0 : index
      %get3A_101 = tpu.vector_load %arg10[%get3A_99, %get3A_100] {strides = array<i32>} : memref<64x16xi32, #tpu.memory_space<vmem>>, vector<16xi32>,
      %mul3A_102 = arith.constant 16 : i32
      %mul3A_103 = vector.broadcast %mul3A_102 : i32 to vector<16xi32>
      %mul3A_104 = arith.muli %get3A_101, %mul3A_103 : vector<16xi32>
      %add3A_105 = arith.addi %mul3A_104, %iota3A : vector<16xi32>
      %get3A_106 = arith.index_cast %scan3A_98 : i32 to index
      %get3A_107 = arith.constant 0 : index
      %get3A_108 = tpu.vector_load %arg9[%get3A_106, %get3A_107] {strides = array<i32>} : memref<64x16xi32, #tpu.memory_space<vmem>>, vector<16xi32>,
      tpu.vector_store_idx %arg11[%add3A_105], %get3A_108 : memref<1024xi32, #tpu.memory_space<vmem>>[vector<16xi32>], vector<16xi32>,
      %scan3A_109 = arith.constant 0 : i32
      %scan3A_110 = arith.constant 4 : i32
      %scan3A_111 = arith.addi %scan3A_59, %scan3A_110 : i32
      %get3A_112 = arith.index_cast %scan3A_111 : i32 to index
      %get3A_113 = arith.constant 0 : index
      %get3A_114 = tpu.vector_load %arg10[%get3A_112, %get3A_113] {strides = array<i32>} : memref<64x16xi32, #tpu.memory_space<vmem>>, vector<16xi32>,
      %mul3A_115 = arith.constant 16 : i32
      %mul3A_116 = vector.broadcast %mul3A_115 : i32 to vector<16xi32>
      %mul3A_117 = arith.muli %get3A_114, %mul3A_116 : vector<16xi32>
      %add3A_118 = arith.addi %mul3A_117, %iota3A : vector<16xi32>
      %get3A_119 = arith.index_cast %scan3A_111 : i32 to index
      %get3A_120 = arith.constant 0 : index
      %get3A_121 = tpu.vector_load %arg9[%get3A_119, %get3A_120] {strides = array<i32>} : memref<64x16xi32, #tpu.memory_space<vmem>>, vector<16xi32>,
      tpu.vector_store_idx %arg11[%add3A_118], %get3A_121 : memref<1024xi32, #tpu.memory_space<vmem>>[vector<16xi32>], vector<16xi32>,
      %scan3A_122 = arith.constant 0 : i32
      %scan3A_123 = arith.constant 5 : i32
      %scan3A_124 = arith.addi %scan3A_59, %scan3A_123 : i32
      %get3A_125 = arith.index_cast %scan3A_124 : i32 to index
      %get3A_126 = arith.constant 0 : index
      %get3A_127 = tpu.vector_load %arg10[%get3A_125, %get3A_126] {strides = array<i32>} : memref<64x16xi32, #tpu.memory_space<vmem>>, vector<16xi32>,
      %mul3A_128 = arith.constant 16 : i32
      %mul3A_129 = vector.broadcast %mul3A_128 : i32 to vector<16xi32>
      %mul3A_130 = arith.muli %get3A_127, %mul3A_129 : vector<16xi32>
      %add3A_131 = arith.addi %mul3A_130, %iota3A : vector<16xi32>
      %get3A_132 = arith.index_cast %scan3A_124 : i32 to index
      %get3A_133 = arith.constant 0 : index
      %get3A_134 = tpu.vector_load %arg9[%get3A_132, %get3A_133] {strides = array<i32>} : memref<64x16xi32, #tpu.memory_space<vmem>>, vector<16xi32>,
      tpu.vector_store_idx %arg11[%add3A_131], %get3A_134 : memref<1024xi32, #tpu.memory_space<vmem>>[vector<16xi32>], vector<16xi32>,
      %scan3A_135 = arith.constant 0 : i32
      %scan3A_136 = arith.constant 6 : i32
      %scan3A_137 = arith.addi %scan3A_59, %scan3A_136 : i32
      %get3A_138 = arith.index_cast %scan3A_137 : i32 to index
      %get3A_139 = arith.constant 0 : index
      %get3A_140 = tpu.vector_load %arg10[%get3A_138, %get3A_139] {strides = array<i32>} : memref<64x16xi32, #tpu.memory_space<vmem>>, vector<16xi32>,
      %mul3A_141 = arith.constant 16 : i32
      %mul3A_142 = vector.broadcast %mul3A_141 : i32 to vector<16xi32>
      %mul3A_143 = arith.muli %get3A_140, %mul3A_142 : vector<16xi32>
      %add3A_144 = arith.addi %mul3A_143, %iota3A : vector<16xi32>
      %get3A_145 = arith.index_cast %scan3A_137 : i32 to index
      %get3A_146 = arith.constant 0 : index
      %get3A_147 = tpu.vector_load %arg9[%get3A_145, %get3A_146] {strides = array<i32>} : memref<64x16xi32, #tpu.memory_space<vmem>>, vector<16xi32>,
      tpu.vector_store_idx %arg11[%add3A_144], %get3A_147 : memref<1024xi32, #tpu.memory_space<vmem>>[vector<16xi32>], vector<16xi32>,
      %scan3A_148 = arith.constant 0 : i32
      %scan3A_149 = arith.constant 7 : i32
      %scan3A_150 = arith.addi %scan3A_59, %scan3A_149 : i32
      %get3A_151 = arith.index_cast %scan3A_150 : i32 to index
      %get3A_152 = arith.constant 0 : index
      %get3A_153 = tpu.vector_load %arg10[%get3A_151, %get3A_152] {strides = array<i32>} : memref<64x16xi32, #tpu.memory_space<vmem>>, vector<16xi32>,
      %mul3A_154 = arith.constant 16 : i32
      %mul3A_155 = vector.broadcast %mul3A_154 : i32 to vector<16xi32>
      %mul3A_156 = arith.muli %get3A_153, %mul3A_155 : vector<16xi32>
      %add3A_157 = arith.addi %mul3A_156, %iota3A : vector<16xi32>
      %get3A_158 = arith.index_cast %scan3A_150 : i32 to index
      %get3A_159 = arith.constant 0 : index
      %get3A_160 = tpu.vector_load %arg9[%get3A_158, %get3A_159] {strides = array<i32>} : memref<64x16xi32, #tpu.memory_space<vmem>>, vector<16xi32>,
      tpu.vector_store_idx %arg11[%add3A_157], %get3A_160 : memref<1024xi32, #tpu.memory_space<vmem>>[vector<16xi32>], vector<16xi32>,
      %scan3A_161 = arith.constant 0 : i32
      scf.yield %scan3A_161 : i32
    }
    %scan3A_43 = arith.constant 64 : i32
    %broadcast_in_dim3A_44 = arith.constant true
    %broadcast_in_dim3A_45 = vector.broadcast %broadcast_in_dim3A_44 : i1 to vector<16xi1>
    %scan3A_46 = arith.constant 0 : i32
    %scan3A_47 = arith.constant 64 : i32
    %scan3A_48 = arith.addi %scan3A_46, %scan3A_47 : i32
    %scan3A_49 = arith.constant 1 : i32
    %scan3A_50:3 = scf.for %scan3A_59 = %scan3A_46 to %scan3A_48 step %scan3A_49 iter_args(%scan3A_60 = %broadcast_in_dim3A_3, %scan3A_61 = %broadcast_in_dim3A_3, %scan3A_62 = %broadcast_in_dim3A_45) -> (vector<16xi32>, vector<16xi32>, vector<16xi1>)  : i32 {
      %mul3A_63 = arith.constant 16 : i32
      %mul3A_64 = arith.muli %scan3A_59, %mul3A_63 : i32
      %get3A = arith.index_cast %mul3A_64 : i32 to index
      %get3A_65 = tpu.vector_load %arg11[%get3A] {strides = array<i32>} : memref<1024xi32, #tpu.memory_space<vmem>>, vector<16xi32>,
      %mul3A_66 = arith.constant 16 : i32
      %mul3A_67 = vector.broadcast %mul3A_66 : i32 to vector<16xi32>
      %mul3A_68 = arith.muli %get3A_65, %mul3A_67 : vector<16xi32>
      %add3A_69 = arith.addi %mul3A_68, %iota3A : vector<16xi32>
      %gather3A = tpu.vector_load_idx %arg12[%add3A_69] : memref<16000xi32, #tpu.memory_space<vmem>>[vector<16xi32>], vector<16xi32>,
      %add3A_70 = arith.constant 1 : i32
      %add3A_71 = vector.broadcast %add3A_70 : i32 to vector<16xi32>
      %add3A_72 = arith.addi %gather3A, %add3A_71 : vector<16xi32>
      tpu.vector_store_idx %arg12[%add3A_69], %add3A_72 masked %scan3A_62 : memref<16000xi32, #tpu.memory_space<vmem>>[vector<16xi32>], vector<16xi32>, vector<16xi1>
      %gt3A_73 = arith.cmpi sgt, %add3A_72, %scan3A_60 : vector<16xi32>
      %and3A = arith.andi %scan3A_62, %gt3A_73 : vector<16xi1>
      %eq3A = arith.cmpi eq, %add3A_72, %scan3A_60 : vector<16xi32>
      %and3A_74 = arith.andi %scan3A_62, %eq3A : vector<16xi1>
      %select_n3A_75 = arith.select %and3A, %add3A_72, %scan3A_60 : vector<16xi1>, vector<16xi32>
      %add3A_76 = arith.constant 1 : i32
      %add3A_77 = vector.broadcast %add3A_76 : i32 to vector<16xi32>
      %add3A_78 = arith.addi %scan3A_61, %add3A_77 : vector<16xi32>
      %select_n3A_79 = arith.select %and3A_74, %add3A_78, %scan3A_61 : vector<16xi1>, vector<16xi32>
      %jit3A_80 = arith.constant 1 : i32
      %broadcast_in_dim3A_81 = vector.broadcast %jit3A_80 : i32 to vector<16xi32>
      %select_n3A_82 = arith.select %and3A, %broadcast_in_dim3A_81, %select_n3A_79 : vector<16xi1>, vector<16xi32>
      %add3A_83 = arith.constant 1 : i32
      %add3A_84 = arith.addi %scan3A_59, %add3A_83 : i32
      %ge3A = arith.constant 6 : i32
      %ge3A_85 = arith.cmpi sge, %add3A_84, %ge3A : i32
      %eq3A_86 = arith.constant 1 : i32
      %eq3A_87 = vector.broadcast %eq3A_86 : i32 to vector<16xi32>
      %eq3A_88 = arith.cmpi eq, %select_n3A_82, %eq3A_87 : vector<16xi32>
      %and3A_89 = vector.broadcast %ge3A_85 : i1 to vector<16xi1>
      %and3A_90 = arith.andi %and3A_89, %eq3A_88 : vector<16xi1>
      %not3A = arith.constant dense<true> : vector<16xi1>
      %not3A_91 = arith.xori %and3A_90, %not3A : vector<16xi1>
      %and3A_92 = arith.andi %scan3A_62, %not3A_91 : vector<16xi1>
      scf.yield %select_n3A_75, %select_n3A_82, %and3A_92 : vector<16xi32>, vector<16xi32>, vector<16xi1>
    }
    %scan3A_51 = arith.constant 64 : i32
    %scan3A_52 = arith.constant 0 : i32
    %scan3A_53 = arith.constant 0 : i32
    %scan3A_54 = arith.constant 16 : i32
    %scan3A_55 = arith.addi %scan3A_53, %scan3A_54 : i32
    %scan3A_56 = arith.constant 1 : i32
    %scan3A_57 = scf.for %scan3A_59 = %scan3A_53 to %scan3A_55 step %scan3A_56 iter_args(%scan3A_60 = %scan3A_52) -> (i32)  : i32 {
      %scan3A_61 = arith.constant 0 : i32
      %scan3A_62 = arith.constant 0 : i32
      %scan3A_63 = arith.constant 60 : i32
      %scan3A_64 = arith.addi %scan3A_62, %scan3A_63 : i32
      %scan3A_65 = arith.constant 4 : i32
      %scan3A_66 = scf.for %scan3A_123 = %scan3A_62 to %scan3A_64 step %scan3A_65 iter_args(%scan3A_124 = %scan3A_61) -> (i32)  : i32 {
        %mul3A_125 = arith.constant 16 : i32
        %mul3A_126 = arith.muli %scan3A_123, %mul3A_125 : i32
        %min3A_127 = arith.constant 984 : i32
        %min3A_128 = arith.minsi %mul3A_126, %min3A_127 : i32
        %add3A_129 = vector.broadcast %min3A_128 : i32 to vector<16xi32>
        %add3A_130 = arith.addi %iota3A, %add3A_129 : vector<16xi32>
        %mul3A_131 = arith.constant 16 : i32
        %mul3A_132 = vector.broadcast %mul3A_131 : i32 to vector<16xi32>
        %mul3A_133 = arith.muli %add3A_130, %mul3A_132 : vector<16xi32>
        %add3A_134 = vector.broadcast %scan3A_59 : i32 to vector<16xi32>
        %add3A_135 = arith.addi %mul3A_133, %add3A_134 : vector<16xi32>
        %gather3A_136 = tpu.vector_load_idx %arg12[%add3A_135] : memref<16000xi32, #tpu.memory_space<vmem>>[vector<16xi32>], vector<16xi32>,
        %gather3A_137 = tpu.vector_load_idx %arg14[%gather3A_136] : memref<80xf32, #tpu.memory_space<vmem>>[vector<16xi32>], vector<16xf32>,
        %swap3A_138 = arith.index_cast %scan3A_59 : i32 to index
        %swap3A_139 = arith.index_cast %min3A_128 : i32 to index
        %swap3A_140 = tpu.vector_load %arg13[%swap3A_138, %swap3A_139] {strides = array<i32>} : memref<16x1000xf32, #tpu.memory_space<vmem>>, vector<16xf32>,
        tpu.vector_store %arg13[%swap3A_138, %swap3A_139], %gather3A_137 {strides = array<i32>} : memref<16x1000xf32, #tpu.memory_space<vmem>>, vector<16xf32>,
        %scan3A_141 = arith.constant 0 : i32
        %scan3A_142 = arith.constant 1 : i32
        %scan3A_143 = arith.addi %scan3A_123, %scan3A_142 : i32
        %mul3A_144 = arith.constant 16 : i32
        %mul3A_145 = arith.muli %scan3A_143, %mul3A_144 : i32
        %min3A_146 = arith.constant 984 : i32
        %min3A_147 = arith.minsi %mul3A_145, %min3A_146 : i32
        %add3A_148 = vector.broadcast %min3A_147 : i32 to vector<16xi32>
        %add3A_149 = arith.addi %iota3A, %add3A_148 : vector<16xi32>
        %mul3A_150 = arith.constant 16 : i32
        %mul3A_151 = vector.broadcast %mul3A_150 : i32 to vector<16xi32>
        %mul3A_152 = arith.muli %add3A_149, %mul3A_151 : vector<16xi32>
        %add3A_153 = vector.broadcast %scan3A_59 : i32 to vector<16xi32>
        %add3A_154 = arith.addi %mul3A_152, %add3A_153 : vector<16xi32>
        %gather3A_155 = tpu.vector_load_idx %arg12[%add3A_154] : memref<16000xi32, #tpu.memory_space<vmem>>[vector<16xi32>], vector<16xi32>,
        %gather3A_156 = tpu.vector_load_idx %arg14[%gather3A_155] : memref<80xf32, #tpu.memory_space<vmem>>[vector<16xi32>], vector<16xf32>,
        %swap3A_157 = arith.index_cast %scan3A_59 : i32 to index
        %swap3A_158 = arith.index_cast %min3A_147 : i32 to index
        %swap3A_159 = tpu.vector_load %arg13[%swap3A_157, %swap3A_158] {strides = array<i32>} : memref<16x1000xf32, #tpu.memory_space<vmem>>, vector<16xf32>,
        tpu.vector_store %arg13[%swap3A_157, %swap3A_158], %gather3A_156 {strides = array<i32>} : memref<16x1000xf32, #tpu.memory_space<vmem>>, vector<16xf32>,
        %scan3A_160 = arith.constant 0 : i32
        %scan3A_161 = arith.constant 2 : i32
        %scan3A_162 = arith.addi %scan3A_123, %scan3A_161 : i32
        %mul3A_163 = arith.constant 16 : i32
        %mul3A_164 = arith.muli %scan3A_162, %mul3A_163 : i32
        %min3A_165 = arith.constant 984 : i32
        %min3A_166 = arith.minsi %mul3A_164, %min3A_165 : i32
        %add3A_167 = vector.broadcast %min3A_166 : i32 to vector<16xi32>
        %add3A_168 = arith.addi %iota3A, %add3A_167 : vector<16xi32>
        %mul3A_169 = arith.constant 16 : i32
        %mul3A_170 = vector.broadcast %mul3A_169 : i32 to vector<16xi32>
        %mul3A_171 = arith.muli %add3A_168, %mul3A_170 : vector<16xi32>
        %add3A_172 = vector.broadcast %scan3A_59 : i32 to vector<16xi32>
        %add3A_173 = arith.addi %mul3A_171, %add3A_172 : vector<16xi32>
        %gather3A_174 = tpu.vector_load_idx %arg12[%add3A_173] : memref<16000xi32, #tpu.memory_space<vmem>>[vector<16xi32>], vector<16xi32>,
        %gather3A_175 = tpu.vector_load_idx %arg14[%gather3A_174] : memref<80xf32, #tpu.memory_space<vmem>>[vector<16xi32>], vector<16xf32>,
        %swap3A_176 = arith.index_cast %scan3A_59 : i32 to index
        %swap3A_177 = arith.index_cast %min3A_166 : i32 to index
        %swap3A_178 = tpu.vector_load %arg13[%swap3A_176, %swap3A_177] {strides = array<i32>} : memref<16x1000xf32, #tpu.memory_space<vmem>>, vector<16xf32>,
        tpu.vector_store %arg13[%swap3A_176, %swap3A_177], %gather3A_175 {strides = array<i32>} : memref<16x1000xf32, #tpu.memory_space<vmem>>, vector<16xf32>,
        %scan3A_179 = arith.constant 0 : i32
        %scan3A_180 = arith.constant 3 : i32
        %scan3A_181 = arith.addi %scan3A_123, %scan3A_180 : i32
        %mul3A_182 = arith.constant 16 : i32
        %mul3A_183 = arith.muli %scan3A_181, %mul3A_182 : i32
        %min3A_184 = arith.constant 984 : i32
        %min3A_185 = arith.minsi %mul3A_183, %min3A_184 : i32
        %add3A_186 = vector.broadcast %min3A_185 : i32 to vector<16xi32>
        %add3A_187 = arith.addi %iota3A, %add3A_186 : vector<16xi32>
        %mul3A_188 = arith.constant 16 : i32
        %mul3A_189 = vector.broadcast %mul3A_188 : i32 to vector<16xi32>
        %mul3A_190 = arith.muli %add3A_187, %mul3A_189 : vector<16xi32>
        %add3A_191 = vector.broadcast %scan3A_59 : i32 to vector<16xi32>
        %add3A_192 = arith.addi %mul3A_190, %add3A_191 : vector<16xi32>
        %gather3A_193 = tpu.vector_load_idx %arg12[%add3A_192] : memref<16000xi32, #tpu.memory_space<vmem>>[vector<16xi32>], vector<16xi32>,
        %gather3A_194 = tpu.vector_load_idx %arg14[%gather3A_193] : memref<80xf32, #tpu.memory_space<vmem>>[vector<16xi32>], vector<16xf32>,
        %swap3A_195 = arith.index_cast %scan3A_59 : i32 to index
        %swap3A_196 = arith.index_cast %min3A_185 : i32 to index
        %swap3A_197 = tpu.vector_load %arg13[%swap3A_195, %swap3A_196] {strides = array<i32>} : memref<16x1000xf32, #tpu.memory_space<vmem>>, vector<16xf32>,
        tpu.vector_store %arg13[%swap3A_195, %swap3A_196], %gather3A_194 {strides = array<i32>} : memref<16x1000xf32, #tpu.memory_space<vmem>>, vector<16xf32>,
        %scan3A_198 = arith.constant 0 : i32
        scf.yield %scan3A_198 : i32
      }
      %scan3A_67 = arith.constant 60 : i32
      %scan3A_68 = arith.addi %scan3A_62, %scan3A_67 : i32
      %mul3A_69 = arith.constant 16 : i32
      %mul3A_70 = arith.muli %scan3A_68, %mul3A_69 : i32
      %min3A = arith.constant 984 : i32
      %min3A_71 = arith.minsi %mul3A_70, %min3A : i32
      %add3A_72 = vector.broadcast %min3A_71 : i32 to vector<16xi32>
      %add3A_73 = arith.addi %iota3A, %add3A_72 : vector<16xi32>
      %mul3A_74 = arith.constant 16 : i32
      %mul3A_75 = vector.broadcast %mul3A_74 : i32 to vector<16xi32>
      %mul3A_76 = arith.muli %add3A_73, %mul3A_75 : vector<16xi32>
      %add3A_77 = vector.broadcast %scan3A_59 : i32 to vector<16xi32>
      %add3A_78 = arith.addi %mul3A_76, %add3A_77 : vector<16xi32>
      %gather3A = tpu.vector_load_idx %arg12[%add3A_78] : memref<16000xi32, #tpu.memory_space<vmem>>[vector<16xi32>], vector<16xi32>,
      %gather3A_79 = tpu.vector_load_idx %arg14[%gather3A] : memref<80xf32, #tpu.memory_space<vmem>>[vector<16xi32>], vector<16xf32>,
      %swap3A = arith.index_cast %scan3A_59 : i32 to index
      %swap3A_80 = arith.index_cast %min3A_71 : i32 to index
      %swap3A_81 = tpu.vector_load %arg13[%swap3A, %swap3A_80] {strides = array<i32>} : memref<16x1000xf32, #tpu.memory_space<vmem>>, vector<16xf32>,
      tpu.vector_store %arg13[%swap3A, %swap3A_80], %gather3A_79 {strides = array<i32>} : memref<16x1000xf32, #tpu.memory_space<vmem>>, vector<16xf32>,
      %scan3A_82 = arith.constant 0 : i32
      %scan3A_83 = arith.constant 61 : i32
      %scan3A_84 = arith.addi %scan3A_62, %scan3A_83 : i32
      %mul3A_85 = arith.constant 16 : i32
      %mul3A_86 = arith.muli %scan3A_84, %mul3A_85 : i32
      %min3A_87 = arith.constant 984 : i32
      %min3A_88 = arith.minsi %mul3A_86, %min3A_87 : i32
      %add3A_89 = vector.broadcast %min3A_88 : i32 to vector<16xi32>
      %add3A_90 = arith.addi %iota3A, %add3A_89 : vector<16xi32>
      %mul3A_91 = arith.constant 16 : i32
      %mul3A_92 = vector.broadcast %mul3A_91 : i32 to vector<16xi32>
      %mul3A_93 = arith.muli %add3A_90, %mul3A_92 : vector<16xi32>
      %add3A_94 = vector.broadcast %scan3A_59 : i32 to vector<16xi32>
      %add3A_95 = arith.addi %mul3A_93, %add3A_94 : vector<16xi32>
      %gather3A_96 = tpu.vector_load_idx %arg12[%add3A_95] : memref<16000xi32, #tpu.memory_space<vmem>>[vector<16xi32>], vector<16xi32>,
      %gather3A_97 = tpu.vector_load_idx %arg14[%gather3A_96] : memref<80xf32, #tpu.memory_space<vmem>>[vector<16xi32>], vector<16xf32>,
      %swap3A_98 = arith.index_cast %scan3A_59 : i32 to index
      %swap3A_99 = arith.index_cast %min3A_88 : i32 to index
      %swap3A_100 = tpu.vector_load %arg13[%swap3A_98, %swap3A_99] {strides = array<i32>} : memref<16x1000xf32, #tpu.memory_space<vmem>>, vector<16xf32>,
      tpu.vector_store %arg13[%swap3A_98, %swap3A_99], %gather3A_97 {strides = array<i32>} : memref<16x1000xf32, #tpu.memory_space<vmem>>, vector<16xf32>,
      %scan3A_101 = arith.constant 0 : i32
      %scan3A_102 = arith.constant 62 : i32
      %scan3A_103 = arith.addi %scan3A_62, %scan3A_102 : i32
      %mul3A_104 = arith.constant 16 : i32
      %mul3A_105 = arith.muli %scan3A_103, %mul3A_104 : i32
      %min3A_106 = arith.constant 984 : i32
      %min3A_107 = arith.minsi %mul3A_105, %min3A_106 : i32
      %add3A_108 = vector.broadcast %min3A_107 : i32 to vector<16xi32>
      %add3A_109 = arith.addi %iota3A, %add3A_108 : vector<16xi32>
      %mul3A_110 = arith.constant 16 : i32
      %mul3A_111 = vector.broadcast %mul3A_110 : i32 to vector<16xi32>
      %mul3A_112 = arith.muli %add3A_109, %mul3A_111 : vector<16xi32>
      %add3A_113 = vector.broadcast %scan3A_59 : i32 to vector<16xi32>
      %add3A_114 = arith.addi %mul3A_112, %add3A_113 : vector<16xi32>
      %gather3A_115 = tpu.vector_load_idx %arg12[%add3A_114] : memref<16000xi32, #tpu.memory_space<vmem>>[vector<16xi32>], vector<16xi32>,
      %gather3A_116 = tpu.vector_load_idx %arg14[%gather3A_115] : memref<80xf32, #tpu.memory_space<vmem>>[vector<16xi32>], vector<16xf32>,
      %swap3A_117 = arith.index_cast %scan3A_59 : i32 to index
      %swap3A_118 = arith.index_cast %min3A_107 : i32 to index
      %swap3A_119 = tpu.vector_load %arg13[%swap3A_117, %swap3A_118] {strides = array<i32>} : memref<16x1000xf32, #tpu.memory_space<vmem>>, vector<16xf32>,
      tpu.vector_store %arg13[%swap3A_117, %swap3A_118], %gather3A_116 {strides = array<i32>} : memref<16x1000xf32, #tpu.memory_space<vmem>>, vector<16xf32>,
      %scan3A_120 = arith.constant 0 : i32
      %scan3A_121 = arith.constant 63 : i32
      %scan3A_122 = arith.constant 0 : i32
      scf.yield %scan3A_122 : i32
    }
    %scan3A_58 = arith.constant 16 : i32
    "tpu.region"() ({
      %run_scoped3A = tpu.sem_alloc : memref<!tpu.dma_semaphore, #tpu.memory_space<semaphore_mem>>
      %dma_start3A = arith.constant 0 : i32
      %dma_start3A_59 = tpu.memref_slice %arg5[%mul3A_2, %dma_start3A] : memref<512x1000xf32, #tpu.memory_space<hbm>> -> memref<16x1000xf32, #tpu.memory_space<hbm>>
      %dma_start3A_60 = arith.constant 0 : i32
      %dma_start3A_61 = tpu.memref_slice %arg5[%mul3A_2, %dma_start3A_60] : memref<512x1000xf32, #tpu.memory_space<hbm>> -> memref<16x1000xf32, #tpu.memory_space<hbm>>
      tpu.enqueue_dma source(%arg13 : memref<16x1000xf32, #tpu.memory_space<vmem>>) target(%dma_start3A_61 : memref<16x1000xf32, #tpu.memory_space<hbm>>) target_semaphore(%run_scoped3A : memref<!tpu.dma_semaphore, #tpu.memory_space<semaphore_mem>>)
      %dma_wait3A = arith.constant 0 : i32
      %dma_wait3A_62 = tpu.memref_slice %arg5[%mul3A_2, %dma_wait3A] : memref<512x1000xf32, #tpu.memory_space<hbm>> -> memref<16x1000xf32, #tpu.memory_space<hbm>>
      %dma_wait3A_63 = arith.constant 0 : i32
      %dma_wait3A_64 = tpu.memref_slice %arg5[%mul3A_2, %dma_wait3A_63] : memref<512x1000xf32, #tpu.memory_space<hbm>> -> memref<16x1000xf32, #tpu.memory_space<hbm>>
      tpu.wait_dma2 semaphore(%run_scoped3A : memref<!tpu.dma_semaphore, #tpu.memory_space<semaphore_mem>>) src(%arg13 : memref<16x1000xf32, #tpu.memory_space<vmem>>) dst(%dma_wait3A_64 : memref<16x1000xf32, #tpu.memory_space<hbm>>)
      tpu.yield
    }) : () -> ()
    return
  }
}

module attributes {stable_mosaic.version = 14 : i64} {
  func.func @_stage_a(%arg0: i32, %arg1: memref<8x64x1000xf32, #tpu.memory_space<vmem>>, %arg2: memref<8x64xf32, #tpu.memory_space<vmem>>, %arg3: memref<8x64xi32, #tpu.memory_space<vmem>>, %arg4: memref<1x128xf32, #tpu.memory_space<vmem>>) attributes {dimension_semantics = [#tpu.dimension_semantics<arbitrary>], iteration_bounds = array<i64: 64>, scalar_prefetch = 0 : i64, scratch_operands = 0 : i64, tpu.core_type = #tpu.core_type<tc>, window_params = [{transform_indices = @transform_0, window_bounds = array<i64: 8, 64, 1000>}, {transform_indices = @transform_1, window_bounds = array<i64: 8, 64>}, {transform_indices = @transform_2, window_bounds = array<i64: 8, 64>}, {pipeline_mode = #tpu.pipeline_mode<synchronous>, transform_indices = @transform_3, window_bounds = array<i64: 1, 128>}]} {
    %get3A = arith.constant 0 : index
    %get3A_0 = arith.constant 0 : index
    %get3A_1 = arith.constant 0 : index
    %get3A_2 = vector.load %arg1[%get3A, %get3A_0, %get3A_1] : memref<8x64x1000xf32, #tpu.memory_space<vmem>>, vector<8x64x1000xf32>
    %max3A = arith.constant 9.99999991E-38 : f32
    %max3A_3 = vector.broadcast %max3A : f32 to vector<8x64x1000xf32>
    %max3A_4 = arith.maximumf %get3A_2, %max3A_3 : vector<8x64x1000xf32>
    %log3A = math.log %max3A_4 : vector<8x64x1000xf32>
    %mul3A = arith.mulf %get3A_2, %log3A : vector<8x64x1000xf32>
    %reduce_sum3A = arith.constant dense<0.000000e+00> : vector<8x64xf32>
    %reduce_sum3A_5 = vector.multi_reduction <add>, %mul3A, %reduce_sum3A [2] : vector<8x64x1000xf32> to vector<8x64xf32>
    %neg3A = arith.constant 0.000000e+00 : f32
    %neg3A_6 = vector.broadcast %neg3A : f32 to vector<8x64xf32>
    %neg3A_7 = arith.subf %neg3A_6, %reduce_sum3A_5 : vector<8x64xf32>
    %swap3A = arith.constant 0 : index
    %swap3A_8 = arith.constant 0 : index
    %swap3A_9 = vector.load %arg2[%swap3A, %swap3A_8] : memref<8x64xf32, #tpu.memory_space<vmem>>, vector<8x64xf32>
    tpu.vector_store %arg2[%swap3A, %swap3A_8], %neg3A_7 {strides = array<i32>} : memref<8x64xf32, #tpu.memory_space<vmem>>, vector<8x64xf32>,
    %reduce_max3A = arith.constant dense<0xFF800000> : vector<8x64xf32>
    %reduce_max3A_10 = vector.multi_reduction <maximumf>, %get3A_2, %reduce_max3A [2] : vector<8x64x1000xf32> to vector<8x64xf32>
    %iota3A = tpu.iota {dimensions = array<i32: 2>} : vector<8x64x1000xi32>
    %broadcast_in_dim3A = vector.shape_cast %reduce_max3A_10 : vector<8x64xf32> to vector<8x64x1xf32>
    %eq3A = vector.broadcast %broadcast_in_dim3A : vector<8x64x1xf32> to vector<8x64x1000xf32>
    %eq3A_11 = arith.cmpf oeq, %get3A_2, %eq3A : vector<8x64x1000xf32>
    %jit3A = arith.constant 1000 : i32
    %broadcast_in_dim3A_12 = vector.broadcast %jit3A : i32 to vector<8x64x1000xi32>
    %select_n3A = arith.select %eq3A_11, %iota3A, %broadcast_in_dim3A_12 : vector<8x64x1000xi1>, vector<8x64x1000xi32>
    %reduce_min3A = arith.constant dense<2147483647> : vector<8x64xi32>
    %reduce_min3A_13 = vector.multi_reduction <minsi>, %select_n3A, %reduce_min3A [2] : vector<8x64x1000xi32> to vector<8x64xi32>
    %swap3A_14 = arith.constant 0 : index
    %swap3A_15 = arith.constant 0 : index
    %swap3A_16 = vector.load %arg3[%swap3A_14, %swap3A_15] : memref<8x64xi32, #tpu.memory_space<vmem>>, vector<8x64xi32>
    tpu.vector_store %arg3[%swap3A_14, %swap3A_15], %reduce_min3A_13 {strides = array<i32>} : memref<8x64xi32, #tpu.memory_space<vmem>>, vector<8x64xi32>,
    %eq3A_17 = arith.constant 0 : i32
    %eq3A_18 = arith.cmpi eq, %arg0, %eq3A_17 : i32
    %convert_element_type3A = arith.extui %eq3A_18 : i1 to i32
    %cond3A = arith.constant 0 : i32
    %cond3A_19 = arith.cmpi ne, %convert_element_type3A, %cond3A : i32
    scf.if %cond3A_19 {
      %iota3A_20 = tpu.iota {dimensions = array<i32: 1>} : vector<1x128xi32>
      %convert_element_type3A_21 = arith.sitofp %iota3A_20 : vector<1x128xi32> to vector<1x128xf32>
      %mul3A_22 = arith.constant 1.562500e-02 : f32
      %mul3A_23 = vector.broadcast %mul3A_22 : f32 to vector<1x128xf32>
      %mul3A_24 = arith.mulf %convert_element_type3A_21, %mul3A_23 : vector<1x128xf32>
      %add3A = arith.constant 9.99999993E-9 : f32
      %add3A_25 = vector.broadcast %add3A : f32 to vector<1x128xf32>
      %add3A_26 = arith.addf %mul3A_24, %add3A_25 : vector<1x128xf32>
      %log3A_27 = math.log %add3A_26 : vector<1x128xf32>
      %swap3A_28 = arith.constant 0 : index
      %swap3A_29 = arith.constant 0 : index
      %swap3A_30 = vector.load %arg4[%swap3A_28, %swap3A_29] : memref<1x128xf32, #tpu.memory_space<vmem>>, vector<1x128xf32>
      tpu.vector_store %arg4[%swap3A_28, %swap3A_29], %log3A_27 {strides = array<i32>} : memref<1x128xf32, #tpu.memory_space<vmem>>, vector<1x128xf32>,
    } else {
    }
    return
  }
  func.func @transform_0(%arg0: i32) -> (i32, i32, i32) {
    %c0_i32 = arith.constant 0 : i32
    %c0_i32_0 = arith.constant 0 : i32
    %c0_i32_1 = arith.constant 0 : i32
    return %arg0, %c0_i32, %c0_i32_0 : i32, i32, i32
  }
  func.func @transform_1(%arg0: i32) -> (i32, i32) {
    %c0_i32 = arith.constant 0 : i32
    %c0_i32_0 = arith.constant 0 : i32
    return %arg0, %c0_i32 : i32, i32
  }
  func.func @transform_2(%arg0: i32) -> (i32, i32) {
    %c0_i32 = arith.constant 0 : i32
    %c0_i32_0 = arith.constant 0 : i32
    return %arg0, %c0_i32 : i32, i32
  }
  func.func @transform_3(%arg0: i32) -> (i32, i32) {
    %c0_i32 = arith.constant 0 : i32
    %c0_i32_0 = arith.constant 0 : i32
    %c0_i32_1 = arith.constant 0 : i32
    return %c0_i32, %c0_i32_0 : i32, i32
  }
}

</mosaic_0001>

<sc_bundles>
// kernel: kernel.4.cloned.1.call-start
scs
__scs_entry_jumppad:
0x0: {  	(pc) =	sbr.rel $0x88, $3  }
0x1: {  	(tag) =	ssettag $0x0;
	lr =	simm.s32 $0x1  }
0x2: {  	[smem:$0x3FA0] =	sst lr;
	_ =	strace $0xD0000000  }
0x3: {  	_ = 	snop  }
0x4: {  	_ = 	snop  }
0x5: {  	_ = 	snop  }
0x6: {  	_ = 	snop  }
0x7: {  	_ = 	snop  }
__scs_overlays_trampoline_lowered:
0x8: {  	[smem:$0x3FAF] =	sst s0  }
0x9: {  	[smem:$0x3FB0] =	sst s1  }
0xa: {  	[smem:$0x3FB1] =	sst s2  }
0xb: {  	[smem:$0x3FB2] =	sst s3  }
0xc: {  	[smem:$0x3FB3] =	sst s4  }
0xd: {  	[smem:$0x3FB4] =	sst s5  }
0xe: {  	[smem:$0x3FB5] =	sst s6  }
0xf: {  	[smem:$0x3FB6] =	sst s7  }
0x10: {  	[smem:$0x3FB7] =	sst s8  }
0x11: {  	[smem:$0x3FB8] =	sst s9;
	s0 =	simm.s32 @!p0 $0x0  }
0x12: {  	s1 =	sld [smem:$0x3F9E];
	s0 =	simm.s32 @p0 $0x1  }
0x13: {  	[smem:$0x3FB9] =	sst s0;
	s0 =	simm.s32 @!p1 $0x0  }
0x14: {  	s2 =	sld [smem:$0x3F9D];
	s0 =	simm.s32 @p1 $0x1  }
0x15: {  	[smem:$0x3FBA] =	sst s0;
	s0 =	simm.s32 @!p2 $0x0  }
0x16: {  	s3 =	sld [smem:$0x3FDB];
	s0 =	simm.s32 @p2 $0x1  }
0x17: {  	s4 =	simm.s32 $0x1BF5;
	[smem:$0x3FBC] =	sst s0  }
0x18: {  	s0 =	sld [smem:$0x3F9F];
	_ =	swait.ge [sflag:s4], $0x0  }
0x19: {  	s7 =	sld [smem:$0x3FA0]  }
0x1a: {  	s8 =	sadd.s32 $0xFFFFE003, lr  }
0x1b: {  	s9 =	sadd.s32 $0xFFFFFEF7, lr;
	s5 =	simm.s32 $0xFFFFFFFF;
	p2 =	slt.u32 s8, $0xFFFFF086  }
0x1c: {  	p1 =	slt.u32 s9, $0xF7A;
	s5 =	simm.s32 @!p2 $0x0  }
0x1d: {  	s5 =	simm.s32 @p1 $0x1;
	p0 =	seq.s32 s7, s2  }
0x1e: {  	s7 =	smul.u32 @!p0 $0xF7A, s2;
	p2 =	seq.s32 @!p0 s5, $0x0  }
0x1f: {  	s9 =	smul.u32 $0xF7A, s1;
	s8 =	simm.s32 @!p0 $0x1BF5;
	p2 =	por !p2, p0  }
0x20: {  	[sflag:s8] =	ssyncset.s32 @!p0 $0xFFFFF086;
	s6 =	sadd.s32 @!p0 s3, s7;
	s7 =	simm.s32 @!p0 $0x108  }
0x21: {  	s3 =	sadd.s32 s3, s9;
	s6 =	sadd.s32 @!p0 $0x88, s6;
	s7 =	simm.s32 @p2 $0x1082  }
0x22: {  	[simem:s7], [sflag:s8] =	dma.local @!p0 [hbm:s6], $0xF7A  }
0x23: {  	s9 =	sor.u32 $0xD0000000, s2;
	s6 =	simm.s32 $0x108;
	_ =	swait.ge @!p0 [sflag:s8], $0x0  }
0x24: {  	s3 =	sadd.s32 $0x88, s3;
	s6 =	simm.s32 @!p1 $0x1082;
	[sflag:s4] =	ssyncset.s32 $0xFFFFF086  }
0x25: {  	[simem:s6], [sflag:s4] =	dma.local [hbm:s3], $0xF7A  }
0x26: {  	[smem:$0x3FA0] =	sst s1;
	(tag) =	ssettag s2;
	_ =	strace s9  }
0x27: {  	s1 =	sld [smem:$0x3FB0]  }
0x28: {  	s2 =	sld [smem:$0x3FB1]  }
0x29: {  	s4 =	sld [smem:$0x3FB3]  }
0x2a: {  	p0 =	seq.s32 s5, $0x0;
	s5 =	sld [smem:$0x3FB4]  }
0x2b: {  	s6 =	sld [smem:$0x3FB5]  }
0x2c: {  	s7 =	sld [smem:$0x3FB6]  }
0x2d: {  	s3 =	simm.s32 $0x108;
	s8 =	sld [smem:$0x3FB7]  }
0x2e: {  	s3 =	simm.s32 @!p0 $0x1082;
	s9 =	sld [smem:$0x3FB8]  }
0x2f: {  	lr =	sadd.s32 s0, s3;
	s0 =	sld [smem:$0x3FAF]  }
0x30: {  	s3 =	sld [smem:$0x3FB2]  }
0x31: {  	[smem:$0x3FBB] =	sst s10  }
0x32: {  	s10 =	sld [smem:$0x3FB9];
	_ =	sdelay $0x3  }
0x33: {  	p0 =	seq.s32 s10, $0x1;
	s10 =	sld [smem:$0x3FBB];
	_ =	sdelay $0x3  }
0x34: {  	[smem:$0x3FBB] =	sst s10  }
0x35: {  	s10 =	sld [smem:$0x3FBA];
	_ =	sdelay $0x3  }
0x36: {  	p1 =	seq.s32 s10, $0x1;
	s10 =	sld [smem:$0x3FBB];
	_ =	sdelay $0x3  }
0x37: {  	[smem:$0x3FBB] =	sst s10  }
0x38: {  	s10 =	sld [smem:$0x3FBC]  }
0x39: {  	_ = 	snop;
	(pc) =	sbr.ind lr, $3  }
0x3a: {  	_ = 	snop  }
0x3b: {  	_ = 	snop  }
0x3c: {  	p2 =	seq.s32 s10, $0x1;
	s10 =	sld [smem:$0x3FBB]  }
0x3d: {  	_ =	shalt  }
0x3e: {  	_ =	shalt  }
0x3f: {  	_ =	shalt  }
0x40: {  	_ =	shalt  }
0x41: {  	_ =	shalt  }
0x42: {  	_ =	shalt  }
0x43: {  	_ =	shalt  }
0x44: {  	_ =	shalt  }
0x45: {  	_ =	shalt  }
0x46: {  	_ =	shalt  }
0x47: {  	_ =	shalt  }
0x48: {  	_ =	shalt  }
0x49: {  	_ =	shalt  }
0x4a: {  	_ =	shalt  }
0x4b: {  	_ =	shalt  }
0x4c: {  	_ =	shalt  }
0x4d: {  	_ =	shalt  }
0x4e: {  	_ =	shalt  }
0x4f: {  	_ =	shalt  }
0x50: {  	_ =	shalt  }
0x51: {  	_ =	shalt  }
0x52: {  	_ =	shalt  }
0x53: {  	_ =	shalt  }
0x54: {  	_ =	shalt  }
0x55: {  	_ =	shalt  }
0x56: {  	_ =	shalt  }
0x57: {  	_ =	shalt  }
0x58: {  	_ =	shalt  }
0x59: {  	_ =	shalt  }
0x5a: {  	_ =	shalt  }
0x5b: {  	_ =	shalt  }
0x5c: {  	_ =	shalt  }
0x5d: {  	_ =	shalt  }
0x5e: {  	_ =	shalt  }
0x5f: {  	_ =	shalt  }
0x60: {  	_ =	shalt  }
0x61: {  	_ =	shalt  }
0x62: {  	_ =	shalt  }
0x63: {  	_ =	shalt  }
0x64: {  	_ =	shalt  }
0x65: {  	_ =	shalt  }
0x66: {  	_ =	shalt  }
0x67: {  	_ =	shalt  }
0x68: {  	_ =	shalt  }
0x69: {  	_ =	shalt  }
0x6a: {  	_ =	shalt  }
0x6b: {  	_ =	shalt  }
0x6c: {  	_ =	shalt  }
0x6d: {  	_ =	shalt  }
0x6e: {  	_ =	shalt  }
0x6f: {  	_ =	shalt  }
0x70: {  	_ =	shalt  }
0x71: {  	_ =	shalt  }
0x72: {  	_ =	shalt  }
0x73: {  	_ =	shalt  }
0x74: {  	_ =	shalt  }
0x75: {  	_ =	shalt  }
0x76: {  	_ =	shalt  }
0x77: {  	_ =	shalt  }
0x78: {  	_ =	shalt  }
0x79: {  	_ =	shalt  }
0x7a: {  	_ =	shalt  }
0x7b: {  	_ =	shalt  }
0x7c: {  	_ =	shalt  }
0x7d: {  	_ =	shalt  }
0x7e: {  	_ =	shalt  }
0x7f: {  	_ =	shalt  }
0x80: {  	_ =	shalt  }
0x81: {  	_ =	shalt  }
0x82: {  	_ =	shalt  }
0x83: {  	_ =	shalt  }
0x84: {  	_ =	shalt  }
0x85: {  	_ =	shalt  }
0x86: {  	_ =	shalt  }
0x87: {  	_ =	shalt  }
.Lfunc_end0:
.L_simem_size_0:
called_computation_lowered:
.L_overlay_start_0:
0x88: {  	s2 =	sld [smem:$0x3FD9]  }
0x89: {  	s3 =	sld [smem:$0x3FFE];
	_ =	sdelay $0x1  }
0x8a: {  	s1 =	srdreg.scid  }
0x8b: {  	s0 =	sand.u32 $0x1, s1  }
0x8c: {  	s17 =	sshll.u32 s0, $0xA;
	s2 =	sadd.s32 s3, s2  }
0x8d: {  	s2 =	sadd.s32 s2, s17  }
0x8e: {  	[smem:$0x3FC7] =	sst s2  }
0x8f: {  	_ = 	snop  }
0x90: {  	s2 =	sld [smem:$0x3FD0];
	(tm) =	ssettm $0x1  }
0x91: {  	s18 =	sld [smem:$0x3FFB];
	_ =	sdelay $0x3  }
0x92: {  	_ =	strace s18  }
0x93: {  	s3 =	sld [smem:$0x3FFC];
	_ =	sdelay $0x3  }
0x94: {  	_ =	strace s3  }
0x95: {  	s3 =	sld [smem:$0x3FFD];
	_ =	sdelay $0x3  }
0x96: {  	_ =	strace s3  }
0x97: {  	_ =	strace $0x8FFFFFFF  }
0x98: {  	s19 =	sld [smem:$0x3FDB];
	_ =	sdelay $0x1  }
0x99: {  	s4 =	simm.s32 $_scs_section_size  }
0x9a: {  	s5 =	simm.s32 $_size__tile_overlayer_lowered;
	s6 =	simm.s32 $_tile_overlayer_lowered  }
0x9b: {  	s22 =	simm.s32 $0x1BFF;
	s21 =	sshll.u32 s6, $0x1;
	s3 =	sadd.s32 s4, s19  }
0x9c: {  	s7 =	simm.s32 $0x0;
	s20 =	sshll.u32 s5, $0x1;
	s5 =	sadd.s32 s21, s3  }
0x9d: {  	[timem:s7], [sflag:s22] =	dma.local [hbm:s5], s20  }
0x9e: {  	_ =	swait.ge [sflag:s22], s20  }
0x9f: {  	s4 =	ssub.s32 $0x0, s20;
	[sflag:s22] =	ssyncset.done $0x0  }
0xa0: {  	[sflag:s22] =	ssyncadd.s32 s4;
	_ =	sdelay $0x1  }
0xa1: {  	s23 =	simm.s32 $0x1B8B  }
0xa2: {  	_ =	swait.ge [sflag:s23], $0x1  }
0xa3: {  	[sflag:s23] =	ssyncset.done $0x0  }
0xa4: {  	s25 =	simm.s32 $0x1B8E;
	s24 =	sld [smem:$0x3FFE];
	[sflag:s23] =	ssyncadd.s32 $0xFFFFFFFF  }
0xa5: {  	s26 =	simm.s32 $execute0_lowered;
	[smem:$0x3FD2] =	sst s25  }
0xa6: {  	s5 =	sshll.u32 s26, $0x1;
	_ =	strace $0x80000046;
	[dreg:$0x1] =	wrdreg $0xFFFFFFFF  }
0xa7: {  	s28 =	simm.s32 $_size_execute0_lowered;
	s3 =	sadd.s32 s3, s5;
	[dreg:$0x0] =	wrdreg $0x0  }
0xa8: {  	s5 =	sshll.u32 s28, $0x1;
	[dreg:$0x2] =	wrdreg s3  }
0xa9: {  	[dreg:$0x3] =	wrdreg s5  }
0xaa: {  	[dreg:$0x4] =	wrdreg $0xC0  }
0xab: {  	_ =	task [dreg:s7], $0x5FFFF  }
0xac: {  	[dreg:$0x1] =	wrdreg $0xFFFFFFFF  }
0xad: {  	[dreg:$0x0] =	wrdreg $0x60  }
0xae: {  	[dreg:$0x2] =	wrdreg s2  }
0xaf: {  	[dreg:$0x3] =	wrdreg s24  }
0xb0: {  	[dreg:$0x4] =	wrdreg $0x9  }
0xb1: {  	_ =	task.clear_ibuf [dreg:s7], $0x5FFFF;
	_ =	strace $0x90000046  }
0xb2: {  	s29 =	simm.s32 $0x9;
	_ =	strace $0x80000048  }
0xb3: {  	_ =	swait.ge [sflag:s29], $0x1  }
0xb4: {  	[sflag:s29] =	ssyncadd.s32 $0xFFFFFFFF  }
0xb5: {  	_ =	strace $0x90000048  }
0xb6: {  	_ =	sfence  }
0xb7: {  	s30 =	sld [smem:$0x0];
	_ =	sdelay $0x2  }
0xb8: {  	s31 =	sshll.u32 s1, $0xD;
	s1 =	sshrl.u32 s1, $0x2  }
0xb9: {  	s3 =	sand.u32 $0x4000, s31;
	s1 =	sadd.s32 s1, s30  }
0xba: {  	s0 =	sor.u32 s3, s0;
	s1 =	sshll.u32 s1, $0x11  }
0xbb: {  	s0 =	sor.u32 s1, s0  }
0xbc: {  	s0 =	sadd.s32 $0x8F2B, s0  }
0xbd: {  	[sflag:s0] =	ssyncadd.remote.s32 $0x1  }
0xbe: {  	_ =	sfence.sel $0xFFFF  }
0xbf: {  	[dreg:$0x0] =	wrdreg $0xFFFFFFFF;
	(pc) =	sbr.abs _section_cstart, $3  }
0xc0: {  	[dreg:$0x1] =	wrdreg $0xFFFFFFFF  }
0xc1: {  	_ =	task.clear_ibuf [dreg:s7], $0x2FFFF;
	_ =	strace $0x9FFFFFFF  }
0xc2: {  	(tm) =	ssettm $0x7FFFFFFF  }
0xc3: {  	_ =	shalt  }
tec
execute0_lowered:
.L_overlay_start_1:
0x0: {  	(tag) =	ssettag $0x1  }
0x1: {  	s1 =	srdreg.scid  }
0x2: {  	s4 =	rddreg [dreg:$0x0];
	s0 =	stileid.u32  }
0x3: {  	s5 =	rddreg [dreg:$0x1];
	s2 =	simm.s32 $0x0;
	s11 =	simm.s32 $0x7400  }
0x4: {  	s12 =	simm.s32 $0xB280;
	s3 =	sand.u32 $0x1, s1;
	s1 =	rddreg [dreg:$0x2]  }
0x5: {  	s13 =	simm.s32 $0x0;
	s6 =	sshll.u32 s0, $0x5;
	[smem:$0x7FF] =	sst s2  }
0x6: {  	s7 =	sshll.u32 s3, $0x4;
	_ =	strace $0x80000047;
	s9 =	ssub.s32 $0x2, s3  }
0x7: {  	s3 =	sadd.s32 $0x2A00, s5;
	s6 =	sor.u32 s7, s6;
	s10 =	sshrl.u32 s9, $0x1  }
0x8: {  	v0 =	vlaneseq.u32;
	s7 =	sshll.u32 s6, $0x4;
	s6 =	sshll.u32 s6, $0x7;
	s9 =	ssub.s32 s9, s10  }
0x9: {  	vm0 =	vmmov $0xffff;
	v4 =	vimm.s32 $0x0;
	v2 =	vmul.u32 $0x10, v0;
	s10 =	simm.s32 $0xF280;
	s8 =	sadd.s32 s7, s5;
	s6 =	sadd.s32 s6, s5  }
0xa: {  	v3 =	vimm.s32 $0x0;
	v1 =	vmul.u32 $0x80, v0;
	v4 =	vsel vm0, $0xFFFFFFFF, v4;
	s4 =	sadd.s32 s4, s7;
	s7 =	smax.u32 s9, $0x1;
	s9 =	simm.s32 $0x800  }
0xb: {  	[tilespmem:$0x1FFF0] =	vst v4;
	v4 =	vor.u32 $0x3C00, v2;
	v5 =	vor.u32 $0x3D00, v2;
	v6 =	vadd.s32 $0x3D80, v2;
	s5 =	sadd.s32 $0xA00, s8;
	s6 =	sadd.s32 $0x2C00, s6;
	s8 =	simm.s32 $0x1  }
.LBB2_1:
0xc: {  	[tilespmem:s2], [sflag:$0x1] =	stream.linear.gather [hbm4b:s4+s2], $0x800, $0x38;
	[tilespmem:$0xF300] =	vst v63  }
0xd: {  	_ =	swait.ge [sflag:s8], $0x800  }
0xe: {  	[sflag:s8] =	ssyncset.done $0x0  }
0xf: {  	v7 =	vmov s2;
	[sflag:s8] =	ssyncadd.s32 $0xFFFFF800  }
0x10: {  	v7 =	vand.u32 $0x78, v7;
	[tilespmem:s9], [sflag:$0x1] =	stream.linear.gather [hbm4b:s5+s2], $0x800, $0x38;
	[tilespmem:$0xF300] =	vst v63  }
0x11: {  	v7 =	vbroadcast v7, $0x0;
	_ =	swait.ge [sflag:s8], $0x800  }
0x12: {  	[sflag:s8] =	ssyncset.done $0x0  }
0x13: {  	v7 =	vor.u32 v1, v7;
	[sflag:s8] =	ssyncadd.s32 $0xFFFFF800  }
0x14: {  	[tilespmem:s10], [sflag:$0x1] =	stream.linear.gather [hbm4b:s3+s2], $0x80, $0x38;
	[tilespmem:$0xF300] =	vst v63  }
0x15: {  	_ =	swait.ge [sflag:s8], $0x80  }
0x16: {  	[sflag:s8] =	ssyncset.done $0x0  }
0x17: {  	[sflag:s8] =	ssyncadd.s32 $0xFFFFFF80  }
0x18: {  	v8 =	vld.idx.msk [tilespmem:v7+s2+$0x0], $0xffff;
	_ =	sdelay $0x1  }
0x19: {  	s14 =	simm.s32 $0x1  }
0x1a: {  	v9 =	vmov s14  }
0x1b: {  	s15 =	simm.s32 $0x1200;
	v9 =	vand.u32 $0x79, v9  }
0x1c: {  	[tilespmem:s15+$0xFFFFFE00] =	vst v8;
	v8 =	vbroadcast v9, $0x0  }
0x1d: {  	v7 =	vld.idx.msk [tilespmem:v7+s9+$0x0], $0xffff  }
0x1e: {  	v8 =	vor.u32 v1, v8;
	_ =	sdelay $0x2  }
0x1f: {  	s16 =	simm.s32 $0x3200  }
0x20: {  	[tilespmem:s16+$0xFFFFFE00] =	vst v7  }
0x21: {  	v7 =	vld.idx.msk [tilespmem:v8+s2+$0x0], $0xffff;
	_ =	sdelay $0x1  }
0x22: {  	s25 =	simm.s32 $0x2  }
0x23: {  	v9 =	vmov s25  }
0x24: {  	v9 =	vand.u32 $0x7A, v9  }
0x25: {  	[tilespmem:s15+$0xFFFFFE80] =	vst v7;
	v7 =	vbroadcast v9, $0x0  }
0x26: {  	v8 =	vld.idx.msk [tilespmem:v8+s9+$0x0], $0xffff  }
0x27: {  	v7 =	vor.u32 v1, v7;
	_ =	sdelay $0x3  }
0x28: {  	[tilespmem:s16+$0xFFFFFE80] =	vst v8  }
0x29: {  	v8 =	vld.idx.msk [tilespmem:v7+s2+$0x0], $0xffff;
	_ =	sdelay $0x1  }
0x2a: {  	s26 =	simm.s32 $0x3  }
0x2b: {  	v9 =	vmov s26  }
0x2c: {  	v9 =	vand.u32 $0x7B, v9  }
0x2d: {  	[tilespmem:s15+$0xFFFFFF00] =	vst v8;
	v8 =	vbroadcast v9, $0x0  }
0x2e: {  	v7 =	vld.idx.msk [tilespmem:v7+s9+$0x0], $0xffff  }
0x2f: {  	v8 =	vor.u32 v1, v8;
	_ =	sdelay $0x3  }
0x30: {  	[tilespmem:s16+$0xFFFFFF00] =	vst v7  }
0x31: {  	v7 =	vld.idx.msk [tilespmem:v8+s2+$0x0], $0xffff;
	_ =	sdelay $0x1  }
0x32: {  	s28 =	simm.s32 $0x4  }
0x33: {  	v9 =	vmov s28  }
0x34: {  	v9 =	vand.u32 $0x7C, v9  }
0x35: {  	[tilespmem:s15+$0xFFFFFF80] =	vst v7;
	v7 =	vbroadcast v9, $0x0  }
0x36: {  	v8 =	vld.idx.msk [tilespmem:v8+s9+$0x0], $0xffff  }
0x37: {  	v7 =	vor.u32 v1, v7;
	_ =	sdelay $0x3  }
0x38: {  	[tilespmem:s16+$0xFFFFFF80] =	vst v8  }
0x39: {  	v8 =	vld.idx.msk [tilespmem:v7+s2+$0x0], $0xffff;
	_ =	sdelay $0x1  }
0x3a: {  	s29 =	simm.s32 $0x5  }
0x3b: {  	v9 =	vmov s29  }
0x3c: {  	v9 =	vand.u32 $0x7D, v9  }
0x3d: {  	[tilespmem:s15+$0x0] =	vst v8;
	v8 =	vbroadcast v9, $0x0  }
0x3e: {  	v7 =	vld.idx.msk [tilespmem:v7+s9+$0x0], $0xffff  }
0x3f: {  	v8 =	vor.u32 v1, v8;
	_ =	sdelay $0x3  }
0x40: {  	[tilespmem:s16+$0x0] =	vst v7  }
0x41: {  	v7 =	vld.idx.msk [tilespmem:v8+s2+$0x0], $0xffff;
	_ =	sdelay $0x1  }
0x42: {  	s30 =	simm.s32 $0x6  }
0x43: {  	v9 =	vmov s30  }
0x44: {  	v9 =	vand.u32 $0x7E, v9  }
0x45: {  	[tilespmem:s15+$0x80] =	vst v7;
	v7 =	vbroadcast v9, $0x0  }
0x46: {  	v8 =	vld.idx.msk [tilespmem:v8+s9+$0x0], $0xffff  }
0x47: {  	v7 =	vor.u32 v1, v7;
	_ =	sdelay $0x3  }
0x48: {  	[tilespmem:s16+$0x80] =	vst v8  }
0x49: {  	v8 =	vld.idx.msk [tilespmem:v7+s2+$0x0], $0xffff;
	_ =	sdelay $0x1  }
0x4a: {  	s31 =	simm.s32 $0x7  }
0x4b: {  	v9 =	vmov s31  }
0x4c: {  	v9 =	vand.u32 $0x7F, v9  }
0x4d: {  	[tilespmem:s15+$0x100] =	vst v8;
	v8 =	vbroadcast v9, $0x0  }
0x4e: {  	v9 =	vld.idx.msk [tilespmem:v7+s9+$0x0], $0xffff  }
0x4f: {  	v7 =	vor.u32 v1, v8;
	_ =	sdelay $0x3  }
0x50: {  	[tilespmem:s16+$0x100] =	vst v9  }
0x51: {  	v8 =	vld.idx.msk [tilespmem:v7+s2+$0x0], $0xffff;
	_ =	sdelay $0x2  }
0x52: {  	s17 =	simm.s32 $0x8  }
0x53: {  	s18 =	simm.s32 $0x10;
	v9 =	vmov s17  }
.LBB2_2:
0x54: {  	p0 =	slt.u32 s18, $0x38;
	v9 =	vand.u32 $0x78, v9;
	[tilespmem:s15+$0x180] =	vst v8  }
0x55: {  	v8 =	vbroadcast v9, $0x0;
	v7 =	vld.idx.msk [tilespmem:v7+s9+$0x0], $0xffff;
	_ =	sdelay $0x1  }
0x56: {  	v8 =	vor.u32 v1, v8;
	_ =	sdelay $0x3  }
0x57: {  	s14 =	simm.s32 $0x7440;
	[tilespmem:s16+$0x180] =	vst v7  }
0x58: {  	v7 =	vld.idx.msk [tilespmem:v8+s2+$0x0], $0xffff;
	_ =	sdelay $0x3  }
0x59: {  	s19 =	sadd.s32 $0x1, s17  }
0x5a: {  	s15 =	sadd.s32 $0x400, s15;
	v9 =	vmov s19  }
0x5b: {  	[tilespmem:s15+$0xFFFFFE00] =	vst v7;
	v7 =	vand.u32 $0x79, v9  }
0x5c: {  	v8 =	vld.idx.msk [tilespmem:v8+s9+$0x0], $0xffff;
	v7 =	vbroadcast v7, $0x0;
	_ =	sdelay $0x1  }
0x5d: {  	v7 =	vor.u32 v1, v7;
	_ =	sdelay $0x2  }
0x5e: {  	s16 =	sadd.s32 $0x400, s16  }
0x5f: {  	[tilespmem:s16+$0xFFFFFE00] =	vst v8  }
0x60: {  	v8 =	vld.idx.msk [tilespmem:v7+s2+$0x0], $0xffff;
	_ =	sdelay $0x3  }
0x61: {  	s19 =	sadd.s32 $0x2, s17  }
0x62: {  	v9 =	vmov s19  }
0x63: {  	[tilespmem:s15+$0xFFFFFE80] =	vst v8;
	v8 =	vand.u32 $0x7A, v9  }
0x64: {  	v7 =	vld.idx.msk [tilespmem:v7+s9+$0x0], $0xffff;
	v8 =	vbroadcast v8, $0x0;
	_ =	sdelay $0x1  }
0x65: {  	v8 =	vor.u32 v1, v8;
	_ =	sdelay $0x3  }
0x66: {  	[tilespmem:s16+$0xFFFFFE80] =	vst v7  }
0x67: {  	v7 =	vld.idx.msk [tilespmem:v8+s2+$0x0], $0xffff;
	_ =	sdelay $0x3  }
0x68: {  	s19 =	sadd.s32 $0x3, s17  }
0x69: {  	v9 =	vmov s19  }
0x6a: {  	[tilespmem:s15+$0xFFFFFF00] =	vst v7;
	v7 =	vand.u32 $0x7B, v9  }
0x6b: {  	v8 =	vld.idx.msk [tilespmem:v8+s9+$0x0], $0xffff;
	v7 =	vbroadcast v7, $0x0;
	_ =	sdelay $0x1  }
0x6c: {  	v7 =	vor.u32 v1, v7;
	_ =	sdelay $0x3  }
0x6d: {  	[tilespmem:s16+$0xFFFFFF00] =	vst v8  }
0x6e: {  	v8 =	vld.idx.msk [tilespmem:v7+s2+$0x0], $0xffff;
	_ =	sdelay $0x3  }
0x6f: {  	s19 =	sadd.s32 $0x4, s17  }
0x70: {  	v9 =	vmov s19  }
0x71: {  	[tilespmem:s15+$0xFFFFFF80] =	vst v8;
	v8 =	vand.u32 $0x7C, v9  }
0x72: {  	v7 =	vld.idx.msk [tilespmem:v7+s9+$0x0], $0xffff;
	v8 =	vbroadcast v8, $0x0;
	_ =	sdelay $0x1  }
0x73: {  	v8 =	vor.u32 v1, v8;
	_ =	sdelay $0x3  }
0x74: {  	[tilespmem:s16+$0xFFFFFF80] =	vst v7  }
0x75: {  	v7 =	vld.idx.msk [tilespmem:v8+s2+$0x0], $0xffff;
	_ =	sdelay $0x3  }
0x76: {  	s19 =	sadd.s32 $0x5, s17  }
0x77: {  	v9 =	vmov s19  }
0x78: {  	[tilespmem:s15+$0x0] =	vst v7;
	v7 =	vand.u32 $0x7D, v9  }
0x79: {  	v8 =	vld.idx.msk [tilespmem:v8+s9+$0x0], $0xffff;
	v7 =	vbroadcast v7, $0x0;
	_ =	sdelay $0x1  }
0x7a: {  	v7 =	vor.u32 v1, v7;
	_ =	sdelay $0x3  }
0x7b: {  	[tilespmem:s16+$0x0] =	vst v8  }
0x7c: {  	v8 =	vld.idx.msk [tilespmem:v7+s2+$0x0], $0xffff;
	_ =	sdelay $0x3  }
0x7d: {  	s19 =	sadd.s32 $0x6, s17  }
0x7e: {  	v9 =	vmov s19  }
0x7f: {  	[tilespmem:s15+$0x80] =	vst v8;
	v8 =	vand.u32 $0x7E, v9  }
0x80: {  	v7 =	vld.idx.msk [tilespmem:v7+s9+$0x0], $0xffff;
	v8 =	vbroadcast v8, $0x0;
	_ =	sdelay $0x1  }
0x81: {  	v8 =	vor.u32 v1, v8;
	_ =	sdelay $0x3  }
0x82: {  	[tilespmem:s16+$0x80] =	vst v7  }
0x83: {  	v7 =	vld.idx.msk [tilespmem:v8+s2+$0x0], $0xffff;
	_ =	sdelay $0x3  }
0x84: {  	s19 =	sadd.s32 $0x7, s17;
	s17 =	smov.u32 s18  }
0x85: {  	v9 =	vmov s19  }
0x86: {  	[tilespmem:s15+$0x100] =	vst v7;
	v7 =	vand.u32 $0x7F, v9  }
0x87: {  	v8 =	vld.idx.msk [tilespmem:v8+s9+$0x0], $0xffff;
	v7 =	vbroadcast v7, $0x0;
	_ =	sdelay $0x1  }
0x88: {  	v7 =	vor.u32 v1, v7;
	_ =	sdelay $0x3  }
0x89: {  	[tilespmem:s16+$0x100] =	vst v8  }
0x8a: {  	v8 =	vld.idx.msk [tilespmem:v7+s2+$0x0], $0xffff  }
.Ltmp0:
0x8b: {  	(pc) =	sbr.rel @p0 .LBB2_2-.Ltmp0, $2  }
0x8c: {  	_ =	sdelay $0x2  }
0x8d: {  	s18 =	sadd.s32 $0x8, s18;
	v9 =	vmov s17  }
0x8e: {  	_ =	sdelay $0x1  }
0x8f: {  	v9 =	vand.u32 $0x78, v9  }
0x90: {  	[tilespmem:s15+$0x180] =	vst v8;
	v8 =	vbroadcast v9, $0x0  }
0x91: {  	v7 =	vld.idx.msk [tilespmem:v7+s9+$0x0], $0xffff  }
0x92: {  	v8 =	vor.u32 v1, v8;
	_ =	sdelay $0x3  }
0x93: {  	[tilespmem:s16+$0x180] =	vst v7  }
0x94: {  	v7 =	vld.idx.msk [tilespmem:v8+s2+$0x0], $0xffff;
	_ =	sdelay $0x1  }
0x95: {  	s18 =	sadd.s32 $0x1, s17  }
0x96: {  	v57 =	vmov s18  }
0x97: {  	s23 =	sadd.s32 $0x400, s15;
	v9 =	vand.u32 $0x79, v57  }
0x98: {  	[tilespmem:s23+$0xFFFFFE00] =	vst v7;
	v7 =	vbroadcast v9, $0x0  }
0x99: {  	v8 =	vld.idx.msk [tilespmem:v8+s9+$0x0], $0xffff  }
0x9a: {  	v7 =	vor.u32 v1, v7;
	_ =	sdelay $0x2  }
0x9b: {  	s24 =	sadd.s32 $0x400, s16  }
0x9c: {  	[tilespmem:s24+$0xFFFFFE00] =	vst v8  }
0x9d: {  	v8 =	vld.idx.msk [tilespmem:v7+s2+$0x0], $0xffff;
	_ =	sdelay $0x1  }
0x9e: {  	s25 =	sadd.s32 $0x2, s17  }
0x9f: {  	v58 =	vmov s25  }
0xa0: {  	v9 =	vand.u32 $0x7A, v58  }
0xa1: {  	[tilespmem:s23+$0xFFFFFE80] =	vst v8;
	v8 =	vbroadcast v9, $0x0  }
0xa2: {  	v7 =	vld.idx.msk [tilespmem:v7+s9+$0x0], $0xffff  }
0xa3: {  	v8 =	vor.u32 v1, v8;
	_ =	sdelay $0x3  }
0xa4: {  	[tilespmem:s24+$0xFFFFFE80] =	vst v7  }
0xa5: {  	v7 =	vld.idx.msk [tilespmem:v8+s2+$0x0], $0xffff;
	_ =	sdelay $0x1  }
0xa6: {  	s26 =	sadd.s32 $0x3, s17  }
0xa7: {  	v59 =	vmov s26  }
0xa8: {  	v9 =	vand.u32 $0x7B, v59  }
0xa9: {  	[tilespmem:s23+$0xFFFFFF00] =	vst v7;
	v7 =	vbroadcast v9, $0x0  }
0xaa: {  	v8 =	vld.idx.msk [tilespmem:v8+s9+$0x0], $0xffff  }
0xab: {  	v7 =	vor.u32 v1, v7;
	_ =	sdelay $0x3  }
0xac: {  	[tilespmem:s24+$0xFFFFFF00] =	vst v8  }
0xad: {  	v8 =	vld.idx.msk [tilespmem:v7+s2+$0x0], $0xffff;
	_ =	sdelay $0x1  }
0xae: {  	s28 =	sadd.s32 $0x4, s17  }
0xaf: {  	v60 =	vmov s28  }
0xb0: {  	v9 =	vand.u32 $0x7C, v60  }
0xb1: {  	[tilespmem:s23+$0xFFFFFF80] =	vst v8;
	v8 =	vbroadcast v9, $0x0  }
0xb2: {  	v7 =	vld.idx.msk [tilespmem:v7+s9+$0x0], $0xffff  }
0xb3: {  	v8 =	vor.u32 v1, v8;
	_ =	sdelay $0x3  }
0xb4: {  	[tilespmem:s24+$0xFFFFFF80] =	vst v7  }
0xb5: {  	v7 =	vld.idx.msk [tilespmem:v8+s2+$0x0], $0xffff;
	_ =	sdelay $0x1  }
0xb6: {  	s29 =	sadd.s32 $0x5, s17  }
0xb7: {  	v61 =	vmov s29  }
0xb8: {  	v9 =	vand.u32 $0x7D, v61  }
0xb9: {  	[tilespmem:s23+$0x0] =	vst v7;
	v7 =	vbroadcast v9, $0x0  }
0xba: {  	v8 =	vld.idx.msk [tilespmem:v8+s9+$0x0], $0xffff  }
0xbb: {  	v7 =	vor.u32 v1, v7;
	_ =	sdelay $0x3  }
0xbc: {  	[tilespmem:s24+$0x0] =	vst v8  }
0xbd: {  	v8 =	vld.idx.msk [tilespmem:v7+s2+$0x0], $0xffff;
	_ =	sdelay $0x1  }
0xbe: {  	s30 =	sadd.s32 $0x6, s17  }
0xbf: {  	v62 =	vmov s30  }
0xc0: {  	v9 =	vand.u32 $0x7E, v62  }
0xc1: {  	[tilespmem:s23+$0x80] =	vst v8;
	v8 =	vbroadcast v9, $0x0  }
0xc2: {  	v7 =	vld.idx.msk [tilespmem:v7+s9+$0x0], $0xffff  }
0xc3: {  	v8 =	vor.u32 v1, v8;
	_ =	sdelay $0x3  }
0xc4: {  	[tilespmem:s24+$0x80] =	vst v7  }
0xc5: {  	v7 =	vld.idx.msk [tilespmem:v8+s2+$0x0], $0xffff;
	_ =	sdelay $0x1  }
0xc6: {  	s31 =	sadd.s32 $0x7, s17  }
0xc7: {  	v63 =	vmov s31  }
0xc8: {  	v9 =	vand.u32 $0x7F, v63  }
0xc9: {  	[tilespmem:s23+$0x100] =	vst v7;
	v7 =	vbroadcast v9, $0x0  }
0xca: {  	v8 =	vld.idx.msk [tilespmem:v8+s9+$0x0], $0xffff  }
0xcb: {  	v7 =	vor.u32 v1, v7;
	_ =	sdelay $0x3  }
0xcc: {  	[tilespmem:s24+$0x100] =	vst v8  }
0xcd: {  	v8 =	vld.idx.msk [tilespmem:v7+s2+$0x0], $0xffff;
	_ =	sdelay $0x4  }
0xce: {  	[tilespmem:s23+$0x180] =	vst v8  }
0xcf: {  	v7 =	vld.idx.msk [tilespmem:v7+s9+$0x0], $0xffff;
	_ =	sdelay $0x4  }
0xd0: {  	[tilespmem:s24+$0x180] =	vst v7;
	v7 =	vimm.s32 $0x0  }
0xd1: {  	[tilespmem:s14+$0x30] =	vst v7  }
0xd2: {  	[tilespmem:s14+$0xFFFFFFC0] =	vst v7  }
0xd3: {  	[tilespmem:s14+$0xFFFFFFD0] =	vst v7  }
0xd4: {  	[tilespmem:s14+$0xFFFFFFE0] =	vst v7  }
0xd5: {  	[tilespmem:s14+$0xFFFFFFF0] =	vst v7  }
0xd6: {  	[tilespmem:s14+$0x0] =	vst v7  }
0xd7: {  	s16 =	simm.s32 $0x0;
	[tilespmem:s14+$0x10] =	vst v7  }
.LBB2_4:
0xd8: {  	s16 =	sadd.s32 $0x8, s16;
	[tilespmem:s14+$0x20] =	vst v7;
	s14 =	sadd.s32 $0x80, s14  }
0xd9: {  	s15 =	simm.s32 $0x0;
	[tilespmem:s14+$0x30] =	vst v7;
	p0 =	slt.u32 s16, $0x3E0  }
0xda: {  	[tilespmem:s14+$0xFFFFFFC0] =	vst v7  }
.Ltmp1:
0xdb: {  	[tilespmem:s14+$0xFFFFFFD0] =	vst v7;
	(pc) =	sbr.rel @p0 .LBB2_4-.Ltmp1, $4  }
0xdc: {  	[tilespmem:s14+$0xFFFFFFE0] =	vst v7  }
0xdd: {  	[tilespmem:s14+$0xFFFFFFF0] =	vst v7  }
0xde: {  	[tilespmem:s14+$0x0] =	vst v7  }
0xdf: {  	[tilespmem:s14+$0x10] =	vst v7  }
0xe0: {  	[tilespmem:s14+$0x20] =	vst v7;
	v8 =	vmov v7  }
.LBB2_6:
0xe1: {  	s14 =	sshll.u32 s15, $0x8  }
0xe2: {  	v9 =	vld [tilespmem:s14+$0x1000]  }
0xe3: {  	s16 =	simm.s32 $0x1200;
	v10 =	vld [tilespmem:s14+$0x1080]  }
0xe4: {  	v11 =	vld [tilespmem:s16+$0x180]  }
0xe5: {  	v12 =	vld [tilespmem:s16+$0x100]  }
0xe6: {  	v13 =	vld [tilespmem:s16+$0x80]  }
0xe7: {  	v14 =	vld [tilespmem:s16+$0x0]  }
0xe8: {  	v15 =	vld [tilespmem:s16+$0xFFFFFF80]  }
0xe9: {  	v16 =	vld [tilespmem:s16+$0xFFFFFF00]  }
0xea: {  	v17 =	vld [tilespmem:s16+$0xFFFFFE80]  }
0xeb: {  	v18 =	vld [tilespmem:s16+$0xFFFFFE00];
	vm9 =	vlt.f32 v11, v9  }
0xec: {  	vm10 =	vlt.f32 v12, v9;
	vm3 =	vlt.f32 v12, v10;
	vm2 =	vlt.f32 v11, v10  }
0xed: {  	vm11 =	vlt.f32 v14, v9;
	vm12 =	vlt.f32 v13, v9;
	vm4 =	vlt.f32 v13, v10  }
0xee: {  	vm13 =	vlt.f32 v15, v9;
	vm6 =	vlt.f32 v15, v10;
	vm5 =	vlt.f32 v14, v10  }
0xef: {  	vm14 =	vlt.f32 v17, v9;
	vm15 =	vlt.f32 v16, v9;
	vm7 =	vlt.f32 v16, v10  }
0xf0: {  	vm0 =	vlt.f32 v18, v9;
	vm1 =	vlt.f32 v18, v10;
	vm8 =	vlt.f32 v17, v10  }
0xf1: {  	v13 =	vsel vm12, $0x1, v3;
	v12 =	vsel vm10, $0x1, v3;
	v11 =	vsel vm9, $0x1, v3  }
0xf2: {  	v18 =	vsel vm15, $0x1, v3;
	v15 =	vsel vm13, $0x1, v3;
	v14 =	vsel vm11, $0x1, v3  }
0xf3: {  	s17 =	simm.s32 $0x0;
	s18 =	simm.s32 $0x1600;
	s16 =	sor.u32 $0x80, s14;
	v16 =	vmovc v7;
	v17 =	vmovc v7;
	v20 =	vsel vm0, $0x1, v3;
	v21 =	vsel vm1, $0x1, v3;
	v19 =	vsel vm14, $0x1, v3  }
.LBB2_7:
0xf4: {  	v22 =	vld [tilespmem:s18+$0x180];
	v16 =	vadd.s32 v20, v16;
	v17 =	vadd.s32 v21, v17;
	v20 =	vsel vm8, $0x1, v3  }
0xf5: {  	v21 =	vld [tilespmem:s18+$0x100];
	v16 =	vadd.s32 v19, v16;
	v17 =	vadd.s32 v20, v17;
	v19 =	vsel vm7, $0x1, v3  }
0xf6: {  	v20 =	vld [tilespmem:s18+$0x80];
	v16 =	vadd.s32 v18, v16;
	v17 =	vadd.s32 v19, v17;
	v18 =	vsel vm6, $0x1, v3  }
0xf7: {  	v19 =	vld [tilespmem:s18+$0x0];
	v15 =	vadd.s32 v15, v16;
	v16 =	vadd.s32 v18, v17;
	v17 =	vsel vm5, $0x1, v3  }
0xf8: {  	v18 =	vld [tilespmem:s18+$0xFFFFFF80];
	v14 =	vadd.s32 v14, v15;
	v15 =	vadd.s32 v17, v16;
	v16 =	vsel vm4, $0x1, v3  }
0xf9: {  	v23 =	vld [tilespmem:s18+$0xFFFFFF00];
	v13 =	vadd.s32 v13, v14;
	v14 =	vadd.s32 v16, v15;
	v15 =	vsel vm3, $0x1, v3  }
0xfa: {  	v24 =	vld [tilespmem:s18+$0xFFFFFE80];
	v12 =	vadd.s32 v12, v13;
	v13 =	vadd.s32 v15, v14;
	v14 =	vsel vm2, $0x1, v3  }
0xfb: {  	vm0 =	vlt.f32 v22, v9;
	v15 =	vld [tilespmem:s18+$0xFFFFFE00];
	v16 =	vadd.s32 v11, v12;
	v17 =	vadd.s32 v14, v13  }
0xfc: {  	vm1 =	vlt.f32 v21, v9;
	vm3 =	vlt.f32 v21, v10;
	vm2 =	vlt.f32 v22, v10  }
0xfd: {  	s17 =	sadd.s32 $0x8, s17;
	vm10 =	vlt.f32 v20, v9;
	vm4 =	vlt.f32 v20, v10;
	vm9 =	vlt.f32 v19, v9  }
0xfe: {  	p0 =	slt.u32 s17, $0x38;
	vm5 =	vlt.f32 v19, v10;
	vm11 =	vlt.f32 v18, v9;
	vm6 =	vlt.f32 v18, v10  }
.Ltmp2:
0xff: {  	vm13 =	vlt.f32 v23, v9;
	vm7 =	vlt.f32 v23, v10;
	vm12 =	vlt.f32 v24, v9;
	(pc) =	sbr.rel @p0 .LBB2_7-.Ltmp2, $4  }
0x100: {  	vm8 =	vlt.f32 v24, v10;
	vm14 =	vlt.f32 v15, v9;
	vm15 =	vlt.f32 v15, v10  }
0x101: {  	v12 =	vsel vm1, $0x1, v3;
	v11 =	vsel vm0, $0x1, v3;
	v13 =	vsel vm10, $0x1, v3  }
0x102: {  	v14 =	vsel vm9, $0x1, v3;
	v18 =	vsel vm13, $0x1, v3;
	v15 =	vsel vm11, $0x1, v3  }
0x103: {  	s18 =	sadd.s32 $0x400, s18;
	v19 =	vsel vm12, $0x1, v3;
	v20 =	vsel vm14, $0x1, v3;
	v21 =	vsel vm15, $0x1, v3  }
0x104: {  	v9 =	vadd.s32 v20, v16  }
0x105: {  	v10 =	vadd.s32 v21, v17;
	v57 =	vsel vm8, $0x1, v3;
	v9 =	vadd.s32 v19, v9  }
0x106: {  	v58 =	vsel vm7, $0x1, v3;
	v10 =	vadd.s32 v57, v10;
	v9 =	vadd.s32 v18, v9  }
0x107: {  	v59 =	vsel vm6, $0x1, v3;
	s15 =	sadd.s32 $0x1, s15;
	v10 =	vadd.s32 v58, v10;
	v9 =	vadd.s32 v15, v9  }
0x108: {  	v60 =	vsel vm5, $0x1, v3;
	p0 =	sne.s32 s15, $0x20;
	v10 =	vadd.s32 v59, v10;
	v9 =	vadd.s32 v14, v9  }
.Ltmp3:
0x109: {  	v61 =	vsel vm4, $0x1, v3;
	v10 =	vadd.s32 v60, v10;
	v9 =	vadd.s32 v13, v9;
	(pc) =	sbr.rel @p0 .LBB2_6-.Ltmp3, $4  }
0x10a: {  	v62 =	vsel vm3, $0x1, v3;
	v10 =	vadd.s32 v61, v10;
	v9 =	vadd.s32 v12, v9  }
0x10b: {  	v63 =	vsel vm2, $0x1, v3;
	v10 =	vadd.s32 v62, v10;
	v9 =	vadd.s32 v11, v9  }
0x10c: {  	v10 =	vadd.s32 v63, v10;
	[tilespmem:s14+$0x5000] =	vst v9;
	v8 =	vadd.s32 v8, v9  }
0x10d: {  	[tilespmem:s16+$0x5000] =	vst v10;
	v8 =	vadd.s32 v10, v8  }
0x10e: {  	vm0 =	vne.s32 v8, $0x7E0  }
0x10f: {  	v7 =	vsel vm0, $0x1, v3  }
0x110: {  	v7 =	vor.u32 $0x80000000, v7  }
0x111: {  	(xrf0) =	vmax.scan.msk.u32 $0xffff, v7;
	_ =	sdelay $0x5  }
0x112: {  	v7, _, _ =	vpop (xrf0)  }
0x113: {  	(v2sf) =	vpush v7, $0xF;
	_ =	sdelay $0xe  }
0x114: {  	s14 =	spop (v2sf)  }
0x115: {  	p0 =	slt.u32 s14, $0x80000001  }
.Ltmp4:
0x116: {  	_ = 	snop;
	(pc) =	sbr.rel @!p0 .LBB2_10-.Ltmp4, $2  }
0x117: {  	_ =	sdelay $0x2  }
0x118: {  	vm4 =	vmxor vm4, vm4;
	s14 =	simm.s32 $0x0  }
.LBB2_15:
0x119: {  	s15 =	simm.s32 $0xFFFFFFF8;
	s16 =	simm.s32 $0x3200;
	s17 =	simm.s32 $0x5200  }
.LBB2_16:
0x11a: {  	v7 =	vld [tilespmem:s17+$0xFFFFFE00];
	_ =	sdelay $0x4  }
0x11b: {  	v7 =	vshll.u32 v7, $0x4  }
0x11c: {  	v8 =	vld [tilespmem:s16+$0xFFFFFE00];
	v7 =	vor.u32 v0, v7;
	_ =	sdelay $0x3  }
0x11d: {  	s18 =	simm.s32 $0x7000  }
0x11e: {  	[tilespmem:v7+s18+$0x0] =	vst.idx.msk $0xffff, v8  }
0x11f: {  	v7 =	vld [tilespmem:s17+$0xFFFFFE80];
	_ =	sdelay $0x4  }
0x120: {  	v7 =	vshll.u32 v7, $0x4  }
0x121: {  	v8 =	vld [tilespmem:s16+$0xFFFFFE80];
	v7 =	vor.u32 v0, v7;
	_ =	sdelay $0x4  }
0x122: {  	[tilespmem:v7+s18+$0x0] =	vst.idx.msk $0xffff, v8  }
0x123: {  	v7 =	vld [tilespmem:s17+$0xFFFFFF00];
	_ =	sdelay $0x4  }
0x124: {  	v7 =	vshll.u32 v7, $0x4  }
0x125: {  	v8 =	vld [tilespmem:s16+$0xFFFFFF00];
	v7 =	vor.u32 v0, v7;
	_ =	sdelay $0x4  }
0x126: {  	[tilespmem:v7+s18+$0x0] =	vst.idx.msk $0xffff, v8  }
0x127: {  	v7 =	vld [tilespmem:s17+$0xFFFFFF80];
	_ =	sdelay $0x4  }
0x128: {  	v7 =	vshll.u32 v7, $0x4  }
0x129: {  	v8 =	vld [tilespmem:s16+$0xFFFFFF80];
	v7 =	vor.u32 v0, v7;
	_ =	sdelay $0x4  }
0x12a: {  	[tilespmem:v7+s18+$0x0] =	vst.idx.msk $0xffff, v8  }
0x12b: {  	v7 =	vld [tilespmem:s17+$0x0];
	_ =	sdelay $0x4  }
0x12c: {  	v7 =	vshll.u32 v7, $0x4  }
0x12d: {  	v8 =	vld [tilespmem:s16+$0x0];
	v7 =	vor.u32 v0, v7;
	_ =	sdelay $0x4  }
0x12e: {  	[tilespmem:v7+s18+$0x0] =	vst.idx.msk $0xffff, v8  }
0x12f: {  	v7 =	vld [tilespmem:s17+$0x80];
	_ =	sdelay $0x4  }
0x130: {  	v7 =	vshll.u32 v7, $0x4  }
0x131: {  	v8 =	vld [tilespmem:s16+$0x80];
	v7 =	vor.u32 v0, v7;
	_ =	sdelay $0x4  }
0x132: {  	[tilespmem:v7+s18+$0x0] =	vst.idx.msk $0xffff, v8  }
0x133: {  	v7 =	vld [tilespmem:s17+$0x100];
	_ =	sdelay $0x4  }
0x134: {  	v7 =	vshll.u32 v7, $0x4  }
0x135: {  	v8 =	vld [tilespmem:s16+$0x100];
	v7 =	vor.u32 v0, v7;
	_ =	sdelay $0x4  }
0x136: {  	[tilespmem:v7+s18+$0x0] =	vst.idx.msk $0xffff, v8  }
0x137: {  	v7 =	vld [tilespmem:s17+$0x180];
	_ =	sdelay $0x4  }
0x138: {  	s15 =	sadd.s32 $0x8, s15;
	v7 =	vshll.u32 v7, $0x4  }
0x139: {  	p0 =	slt.u32 s15, $0x38;
	v8 =	vld [tilespmem:s16+$0x180];
	v7 =	vor.u32 v0, v7  }
.Ltmp5:
0x13a: {  	_ = 	snop;
	(pc) =	sbr.rel @p0 .LBB2_16-.Ltmp5, $2  }
0x13b: {  	_ =	sdelay $0x2  }
0x13c: {  	s14 =	simm.s32 $0x0;
	s16 =	sadd.s32 $0x400, s16;
	s17 =	sadd.s32 $0x400, s17;
	[tilespmem:v7+s18+$0x0] =	vst.idx.msk $0xffff, v8;
	v7 =	vimm.s32 $0x0  }
0x13d: {  	v8 =	vld [tilespmem:s18+$0x0];
	_ =	sdelay $0x4  }
0x13e: {  	v8 =	vshll.u32 v8, $0x4  }
0x13f: {  	v8 =	vor.u32 v0, v8;
	_ =	sdelay $0x4  }
0x140: {  	v9 =	vld.idx.msk [tilespmem:v8+s11+$0x0], $0xffff;
	_ =	sdelay $0x4  }
0x141: {  	v10 =	vadd.s32 $0x1, v9;
	v9 =	vld [tilespmem:$0x1FFF0];
	_ =	sdelay $0x4  }
0x142: {  	vm2 =	vnez.u8 v9;
	_ =	sdelay $0x5  }
0x143: {  	s16 =	simm.s32 $0x7010;
	vm0 =	veq.s32 v10, v7;
	[tilespmem:v8+s11+$0x0] =	vst.idx.msk vm2, v10  }
0x144: {  	s17 =	simm.s32 $0x1;
	s18 =	simm.s32 $0x2;
	s15 =	simm.s32 $0x0;
	vm3 =	vmand vm2, vm0;
	v8 =	vimm.s32 $0x0;
	v9 =	vld [tilespmem:s16+$0x0]  }
.LBB2_18:
0x145: {  	p0 =	sne.s32 s18, $0x3F;
	vm0 =	vgt.s32 v10, v7;
	v11 =	vsel vm3, $0x1, v3  }
0x146: {  	vm0 =	vmand vm2, vm0;
	v8 =	vadd.s32 v11, v8  }
0x147: {  	p1 =	sgt.u32 s15, $0x4;
	s15 =	smov.u32 s17;
	s17 =	smov.u32 s18;
	vm1 =	vmmov vm4;
	v7 =	vsel vm0, v10, v7;
	v8 =	vsel vm0, $0x1, v8  }
0x148: {  	vm1 =	vmneg @p1 vm1;
	vm0 =	veq.s32 v8, $0x1  }
0x149: {  	v9 =	vshll.u32 v9, $0x4;
	vm0 =	vmand vm1, vm0  }
0x14a: {  	v9 =	vor.u32 v0, v9;
	vm0 =	vmneg vm0  }
0x14b: {  	vm2 =	vmand vm2, vm0;
	_ =	sdelay $0x3  }
0x14c: {  	v10 =	vld.idx.msk [tilespmem:v9+s11+$0x0], $0xffff;
	_ =	sdelay $0x3  }
.Ltmp6:
0x14d: {  	(pc) =	sbr.rel @p0 .LBB2_18-.Ltmp6, $4  }
0x14e: {  	_ = 	snop  }
0x14f: {  	v10 =	vadd.s32 $0x1, v10  }
0x150: {  	s16 =	sadd.s32 $0x10, s16;
	vm0 =	veq.s32 v10, v7;
	[tilespmem:v9+s11+$0x0] =	vst.idx.msk vm2, v10  }
0x151: {  	s18 =	sadd.s32 $0x1, s18;
	vm3 =	vmand vm2, vm0;
	v9 =	vld [tilespmem:s16+$0x0]  }
0x152: {  	_ =	sdelay $0x3  }
0x153: {  	vm0 =	vgt.s32 v10, v7;
	v7 =	vsel vm3, $0x1, v3;
	v9 =	vshll.u32 v9, $0x4  }
0x154: {  	vm0 =	vmand vm2, vm0;
	v7 =	vadd.s32 v7, v8;
	v8 =	vor.u32 v0, v9  }
0x155: {  	p0 =	sgt.u32 s15, $0x4;
	v7 =	vsel vm0, $0x1, v7;
	vm0 =	vmmov vm4  }
0x156: {  	vm1 =	veq.s32 v7, $0x1;
	vm0 =	vmneg @p0 vm0  }
0x157: {  	vm0 =	vmand vm0, vm1  }
0x158: {  	vm0 =	vmneg vm0  }
0x159: {  	vm0 =	vmand vm2, vm0;
	v7 =	vld.idx.msk [tilespmem:v8+s11+$0x0], $0xffff;
	_ =	sdelay $0x4  }
0x15a: {  	v7 =	vadd.s32 $0x1, v7  }
0x15b: {  	[tilespmem:v8+s11+$0x0] =	vst.idx.msk vm0, v7  }
.LBB2_20:
0x15c: {  	s19 =	simm.s32 $0x0  }
0x15d: {  	v7 =	vmov s19  }
0x15e: {  	v8 =	vshll.u32 v7, $0x4  }
0x15f: {  	v7 =	vmov s14;
	v8 =	vor.u32 v2, v8  }
0x160: {  	v8 =	vadd.s32 v7, v8;
	_ =	sdelay $0x4  }
0x161: {  	v9 =	vld.idx.msk [tilespmem:v8+s11+$0x0], $0xffff;
	_ =	sdelay $0x4  }
0x162: {  	s20 =	simm.s32 $0x10  }
0x163: {  	s15 =	sshll.u32 s14, $0x7;
	v8 =	vmov s20  }
0x164: {  	s15 =	sand.u32 $0x380, s15;
	v10 =	vshll.u32 v8, $0x4  }
0x165: {  	s16 =	sshll.u32 s14, $0xA;
	v8 =	vmov s15;
	v10 =	vor.u32 v2, v10;
	v9 =	vld.idx.msk [tilespmem:v9+s10+$0x0], $0xffff  }
0x166: {  	s18 =	simm.s32 $0x0;
	s17 =	sand.u32 $0x2000, s16;
	v10 =	vadd.s32 v7, v10  }
0x167: {  	s21 =	sand.u32 $0x1C00, s18;
	s17 =	sadd.s32 $0xB280, s17  }
0x168: {  	s19 =	sand.u32 $0x40, s19;
	s22 =	sadd.s32 s21, s17  }
0x169: {  	s19 =	sadd.s32 s19, s22  }
0x16a: {  	[tilespmem:v8+s19+$0x0 ss:$0x1] =	vst.idx.msk $0xffff, v9  }
0x16b: {  	v9 =	vld.idx.msk [tilespmem:v10+s11+$0x0], $0xffff;
	_ =	sdelay $0x4  }
0x16c: {  	s29 =	simm.s32 $0x20  }
0x16d: {  	v10 =	vmov s29  }
0x16e: {  	v10 =	vshll.u32 v10, $0x4  }
0x16f: {  	v10 =	vor.u32 v2, v10;
	v9 =	vld.idx.msk [tilespmem:v9+s10+$0x0], $0xffff  }
0x170: {  	v10 =	vadd.s32 v7, v10;
	_ =	sdelay $0x1  }
0x171: {  	s20 =	sand.u32 $0x50, s20  }
0x172: {  	s20 =	sadd.s32 s20, s22  }
0x173: {  	[tilespmem:v8+s20+$0x0 ss:$0x1] =	vst.idx.msk $0xffff, v9  }
0x174: {  	v9 =	vld.idx.msk [tilespmem:v10+s11+$0x0], $0xffff;
	_ =	sdelay $0x4  }
0x175: {  	s30 =	simm.s32 $0x30  }
0x176: {  	v10 =	vmov s30  }
0x177: {  	v10 =	vshll.u32 v10, $0x4  }
0x178: {  	v10 =	vor.u32 v2, v10;
	v9 =	vld.idx.msk [tilespmem:v9+s10+$0x0], $0xffff  }
0x179: {  	v10 =	vadd.s32 v7, v10;
	_ =	sdelay $0x1  }
0x17a: {  	s19 =	sand.u32 $0x60, s29  }
0x17b: {  	s19 =	sadd.s32 s19, s22  }
0x17c: {  	[tilespmem:v8+s19+$0x0 ss:$0x1] =	vst.idx.msk $0xffff, v9  }
0x17d: {  	v9 =	vld.idx.msk [tilespmem:v10+s11+$0x0], $0xffff;
	_ =	sdelay $0x4  }
0x17e: {  	s23 =	simm.s32 $0x40  }
0x17f: {  	v10 =	vmov s23  }
0x180: {  	v10 =	vshll.u32 v10, $0x4  }
0x181: {  	v10 =	vor.u32 v2, v10;
	v9 =	vld.idx.msk [tilespmem:v9+s10+$0x0], $0xffff  }
0x182: {  	v10 =	vadd.s32 v7, v10;
	_ =	sdelay $0x1  }
0x183: {  	s31 =	sand.u32 $0x70, s30;
	s21 =	simm.s32 $0x4  }
0x184: {  	s22 =	sadd.s32 s31, s22;
	s20 =	simm.s32 $0x70;
	s19 =	simm.s32 $0x70  }
.LBB2_21:
0x185: {  	s21 =	sadd.s32 $0x4, s21;
	[tilespmem:v8+s22+$0x0 ss:$0x1] =	vst.idx.msk $0xffff, v9;
	s18 =	sadd.s32 $0x200, s18  }
0x186: {  	p0 =	slt.u32 s21, $0x38;
	v9 =	vld.idx.msk [tilespmem:v10+s11+$0x0], $0xffff;
	_ =	sdelay $0x5  }
0x187: {  	s22 =	sadd.s32 $0xFFFFFFE0, s20  }
0x188: {  	v10 =	vmov s22;
	s24 =	sand.u32 $0x50, s22  }
0x189: {  	v10 =	vshll.u32 v10, $0x4;
	v9 =	vld.idx.msk [tilespmem:v9+s10+$0x0], $0xffff  }
0x18a: {  	v10 =	vor.u32 v2, v10  }
0x18b: {  	v10 =	vadd.s32 v7, v10  }
0x18c: {  	s22 =	sand.u32 $0x1C00, s18  }
0x18d: {  	s23 =	sand.u32 $0x40, s23;
	s22 =	sadd.s32 s22, s17  }
0x18e: {  	s23 =	sadd.s32 s23, s22;
	s24 =	sadd.s32 s24, s22  }
0x18f: {  	[tilespmem:v8+s23+$0x0 ss:$0x1] =	vst.idx.msk $0xffff, v9  }
0x190: {  	v9 =	vld.idx.msk [tilespmem:v10+s11+$0x0], $0xffff;
	_ =	sdelay $0x5  }
0x191: {  	s23 =	sadd.s32 $0xFFFFFFF0, s20  }
0x192: {  	v10 =	vmov s23  }
0x193: {  	v10 =	vshll.u32 v10, $0x4;
	v9 =	vld.idx.msk [tilespmem:v9+s10+$0x0], $0xffff  }
0x194: {  	v10 =	vor.u32 v2, v10  }
0x195: {  	v10 =	vadd.s32 v7, v10;
	_ =	sdelay $0x3  }
0x196: {  	[tilespmem:v8+s24+$0x0 ss:$0x1] =	vst.idx.msk $0xffff, v9  }
0x197: {  	v9 =	vld.idx.msk [tilespmem:v10+s11+$0x0], $0xffff;
	_ =	sdelay $0x6  }
0x198: {  	v10 =	vmov s20  }
0x199: {  	v10 =	vshll.u32 v10, $0x4;
	v9 =	vld.idx.msk [tilespmem:v9+s10+$0x0], $0xffff  }
0x19a: {  	v10 =	vor.u32 v2, v10  }
0x19b: {  	v10 =	vadd.s32 v7, v10;
	_ =	sdelay $0x1  }
0x19c: {  	s23 =	sand.u32 $0x60, s23  }
0x19d: {  	s23 =	sadd.s32 s23, s22  }
0x19e: {  	[tilespmem:v8+s23+$0x0 ss:$0x1] =	vst.idx.msk $0xffff, v9  }
0x19f: {  	v9 =	vld.idx.msk [tilespmem:v10+s11+$0x0], $0xffff;
	_ =	sdelay $0x4  }
0x1a0: {  	s20 =	sadd.s32 $0x40, s20  }
0x1a1: {  	s23 =	sadd.s32 $0xFFFFFFD0, s20  }
0x1a2: {  	v10 =	vmov s23  }
0x1a3: {  	v10 =	vshll.u32 v10, $0x4;
	v9 =	vld.idx.msk [tilespmem:v9+s10+$0x0], $0xffff  }
.Ltmp7:
0x1a4: {  	v10 =	vor.u32 v2, v10;
	(pc) =	sbr.rel @p0 .LBB2_21-.Ltmp7, $3  }
0x1a5: {  	v10 =	vadd.s32 v7, v10;
	_ =	sdelay $0x1  }
0x1a6: {  	s24 =	sand.u32 $0x70, s19;
	s19 =	smov.u32 s20  }
0x1a7: {  	s22 =	sadd.s32 s24, s22  }
0x1a8: {  	_ =	sdelay $0x3  }
0x1a9: {  	[tilespmem:v8+s22+$0x0 ss:$0x1] =	vst.idx.msk $0xffff, v9  }
0x1aa: {  	v9 =	vld.idx.msk [tilespmem:v10+s11+$0x0], $0xffff;
	_ =	sdelay $0x4  }
0x1ab: {  	s21 =	sadd.s32 $0xFFFFFFE0, s20  }
0x1ac: {  	v59 =	vmov s21  }
0x1ad: {  	v10 =	vshll.u32 v59, $0x4  }
0x1ae: {  	v10 =	vor.u32 v2, v10;
	v9 =	vld.idx.msk [tilespmem:v9+s10+$0x0], $0xffff  }
0x1af: {  	s18 =	sadd.s32 $0x200, s18;
	v10 =	vadd.s32 v7, v10  }
0x1b0: {  	s18 =	sand.u32 $0x1C00, s18  }
0x1b1: {  	s28 =	sand.u32 $0x40, s23;
	s17 =	sadd.s32 s18, s17  }
0x1b2: {  	s18 =	sadd.s32 s28, s17  }
0x1b3: {  	[tilespmem:v8+s18+$0x0 ss:$0x1] =	vst.idx.msk $0xffff, v9  }
0x1b4: {  	v9 =	vld.idx.msk [tilespmem:v10+s11+$0x0], $0xffff;
	_ =	sdelay $0x4  }
0x1b5: {  	s29 =	sadd.s32 $0xFFFFFFF0, s20  }
0x1b6: {  	v60 =	vmov s29  }
0x1b7: {  	v10 =	vshll.u32 v60, $0x4  }
0x1b8: {  	v10 =	vor.u32 v2, v10;
	v9 =	vld.idx.msk [tilespmem:v9+s10+$0x0], $0xffff  }
0x1b9: {  	v10 =	vadd.s32 v7, v10;
	_ =	sdelay $0x1  }
0x1ba: {  	s21 =	sand.u32 $0x50, s21  }
0x1bb: {  	s21 =	sadd.s32 s21, s17  }
0x1bc: {  	[tilespmem:v8+s21+$0x0 ss:$0x1] =	vst.idx.msk $0xffff, v9  }
0x1bd: {  	v9 =	vld.idx.msk [tilespmem:v10+s11+$0x0], $0xffff;
	_ =	sdelay $0x5  }
0x1be: {  	v61 =	vmov s20  }
0x1bf: {  	v10 =	vshll.u32 v61, $0x4  }
0x1c0: {  	v10 =	vor.u32 v2, v10;
	v9 =	vld.idx.msk [tilespmem:v9+s10+$0x0], $0xffff  }
0x1c1: {  	v10 =	vadd.s32 v7, v10;
	_ =	sdelay $0x1  }
0x1c2: {  	s18 =	sand.u32 $0x60, s29  }
0x1c3: {  	s18 =	sadd.s32 s18, s17  }
0x1c4: {  	[tilespmem:v8+s18+$0x0 ss:$0x1] =	vst.idx.msk $0xffff, v9  }
0x1c5: {  	v9 =	vld.idx.msk [tilespmem:v10+s11+$0x0], $0xffff;
	_ =	sdelay $0x7  }
0x1c6: {  	v9 =	vld.idx.msk [tilespmem:v9+s10+$0x0], $0xffff  }
0x1c7: {  	v62 =	vor.u32 v4, v7;
	_ =	sdelay $0x1  }
0x1c8: {  	s30 =	sand.u32 $0x70, s19  }
0x1c9: {  	s17 =	sadd.s32 s30, s17  }
0x1ca: {  	[tilespmem:v8+s17+$0x0 ss:$0x1] =	vst.idx.msk $0xffff, v9  }
0x1cb: {  	v8 =	vld.idx.msk [tilespmem:v62+s11+$0x0], $0xffff;
	_ =	sdelay $0x7  }
0x1cc: {  	v8 =	vld.idx.msk [tilespmem:v8+s10+$0x0], $0xffff  }
0x1cd: {  	v63 =	vor.u32 v5, v7;
	_ =	sdelay $0x1  }
0x1ce: {  	s15 =	sor.u32 s16, s15  }
0x1cf: {  	s16 =	sor.u32 $0x1C40, s15  }
0x1d0: {  	[tilespmem:s16+$0xB280] =	vst v8  }
0x1d1: {  	v8 =	vld.idx.msk [tilespmem:v63+s11+$0x0], $0xffff;
	_ =	sdelay $0x7  }
0x1d2: {  	v8 =	vld.idx.msk [tilespmem:v8+s10+$0x0], $0xffff  }
0x1d3: {  	v7 =	vor.u32 v6, v7;
	_ =	sdelay $0x2  }
0x1d4: {  	s31 =	sor.u32 $0x1C50, s15  }
0x1d5: {  	[tilespmem:s31+$0xB280] =	vst v8  }
0x1d6: {  	v7 =	vld.idx.msk [tilespmem:v7+s11+$0x0], $0xffff;
	_ =	sdelay $0x6  }
0x1d7: {  	s14 =	sadd.s32 $0x1, s14  }
0x1d8: {  	p0 =	sne.s32 s14, $0x10;
	v7 =	vld.idx.msk [tilespmem:v7+s10+$0x0], $0xffff  }
.Ltmp8:
0x1d9: {  	_ = 	snop;
	(pc) =	sbr.rel @p0 .LBB2_20-.Ltmp8, $3  }
0x1da: {  	_ =	sdelay $0x1  }
0x1db: {  	s15 =	sor.u32 $0x1C58, s15  }
0x1dc: {  	[tilespmem:s15+$0xB280] =	vst v7  }
0x1dd: {  	[hbm4b:s6+s2] =	stream.linear.scatter [tilespmem:s12], [sflag:$0x1], $0x4000, $0x38;
	[tilespmem:$0xF300] =	vst v63  }
0x1de: {  	s13 =	sadd.s32 $0x1, s13  }
0x1df: {  	p0 =	sne.s32 s13, s7  }
.Ltmp9:
0x1e0: {  	_ = 	snop;
	(pc) =	sbr.rel @p0 .LBB2_1-.Ltmp9, $4  }
.Ltmp10:
0x1e1: {  	_ = 	snop;
	(pc) =	sbr.rel @!p0 .LBB2_24-.Ltmp10, $4  }
0x1e2: {  	_ =	swait.ge [sflag:s8], $0x4000  }
0x1e3: {  	[sflag:s8] =	ssyncset.done $0x0  }
0x1e4: {  	[sflag:s8] =	ssyncadd.s32 $0xFFFFC000  }
0x1e5: {  	_ = 	snop  }
.LBB2_13:
0x1e6: {  	v8 =	vsel vm2, $0x1, v3  }
0x1e7: {  	v7 =	vadd.s32 v8, v7  }
.LBB2_14:
0x1e8: {  	v8 =	vld [tilespmem:s15+$0x5000];
	s14 =	sadd.s32 $0x1, s14  }
0x1e9: {  	p0 =	sne.s32 s14, $0x40  }
.Ltmp11:
0x1ea: {  	_ = 	snop;
	(pc) =	sbr.rel @!p0 .LBB2_15-.Ltmp11, $3  }
0x1eb: {  	_ =	sdelay $0x1  }
0x1ec: {  	v7 =	vadd.s32 v7, v8  }
0x1ed: {  	[tilespmem:s15+$0x5000] =	vst v7  }
.LBB2_10:
0x1ee: {  	p0 =	seq.s32 s14, $0x0  }
.Ltmp12:
0x1ef: {  	_ = 	snop;
	(pc) =	sbr.rel @p0 .LBB2_14-.Ltmp12, $2  }
0x1f0: {  	_ =	sdelay $0x2  }
0x1f1: {  	s15 =	sshll.u32 s14, $0x7;
	v7 =	vimm.s32 $0x0  }
0x1f2: {  	v8 =	vld [tilespmem:s15+$0x1000];
	s16 =	simm.s32 $0x1000  }
0x1f3: {  	p0 =	sne.s32 s14, $0x1;
	v9 =	vld [tilespmem:s16+$0x0]  }
.Ltmp13:
0x1f4: {  	_ = 	snop;
	(pc) =	sbr.rel @!p0 .LBB2_13-.Ltmp13, $2  }
0x1f5: {  	_ =	sdelay $0x2  }
0x1f6: {  	s17 =	simm.s32 $0x1080;
	s16 =	sadd.s32 $0xFFFFFFFF, s14;
	vm2 =	veq.f32 v9, v8  }
.LBB2_12:
0x1f7: {  	v9 =	vld [tilespmem:s17+$0x0];
	p0 =	sne.s32 s16, $0x1;
	s16 =	sadd.s32 $0xFFFFFFFF, s16;
	v10 =	vsel vm2, $0x1, v3  }
.Ltmp14:
0x1f8: {  	v7 =	vadd.s32 v10, v7;
	(pc) =	sbr.rel @p0 .LBB2_12-.Ltmp14, $2  }
0x1f9: {  	_ =	sdelay $0x2  }
0x1fa: {  	s17 =	sadd.s32 $0x80, s17;
	vm2 =	veq.f32 v9, v8  }
.Ltmp15:
0x1fb: {  	_ = 	snop;
	(pc) =	sbr.rel .LBB2_13-.Ltmp15, $1  }
0x1fc: {  	_ =	sdelay $0x3  }
.LBB2_24:
0x1fd: {  	_ =	sfence.sel $0x180000  }
0x1fe: {  	[bflag:$0x0] =	sbarrier.arrive $0xFFFF  }
0x1ff: {  	p0 =	sne.s32 s0, $0x0;
	_ =	strace $0x90000047  }
0x200: {  	s0 =	sadd.s32 @!p0 $0x100000, s1;
	[bflag:$0x2] =	sbarrier.arrive $0xFFFF  }
0x201: {  	[sflag:s0] =	ssyncadd.tile.s32 @!p0 $0x1;
	_ =	shalt  }
.Lfunc_end2:
_tile_overlayer_lowered:
.L_overlay_start_2:
0x202: {  	(tag) =	ssettag $0x2  }
0x203: {  	s0 =	rddreg [dreg:$0x0];
	s2 =	stileid.u32  }
0x204: {  	s1 =	rddreg [dreg:$0x1];
	p0 =	sne.s32 s2, $0x0  }
0x205: {  	s3 =	rddreg [dreg:$0x2];
	[bflag:$0x3] =	sbarrier.arrive $0xFFFF;
	s2 =	simm.s32 @!p0 $0x1C01  }
0x206: {  	[timem:s3], [sflag:s2] =	dma.local @!p0 [hbm:s0], s1  }
0x207: {  	s0 =	simm.s32 @!p0 $0x1  }
0x208: {  	_ =	swait.ge @!p0 [sflag:s0], s1  }
0x209: {  	s1 =	ssub.s32 @!p0 $0x0, s1;
	[sflag:s0] =	ssyncset.done @!p0 $0x0  }
0x20a: {  	[sflag:s0] =	ssyncadd.s32 @!p0 s1  }
0x20b: {  	[bflag:$0x3] =	sbarrier.arrive $0xFFFF  }
0x20c: {  	_ =	shalt  }

</sc_bundles>
